<compile_context>
chip_gen: v7x
topology: tpu7x:2x2x1
jax: 0.10.2.dev20260603
libtpu: 0.0.44.dev20260713+nightly
codegen_flags: <defaults>
</compile_context>

<pallas_src>
import jax
import jax.numpy as jnp
from jax import lax
from jax.experimental import pallas as pl
from jax.experimental.pallas import tpu as pltpu, tpu_sc as plsc
import functools

_NUM_PRODUCTS = 1000000
_D = 128
_B = 16384

_NC = 2
_NS = 16
_NW = _NC * _NS
_BPW = _B // _NW
_CH = 128
_NCK = _BPW // _CH
_NV = _D // 16

_mesh = plsc.VectorSubcoreMesh(core_axis_name="c", subcore_axis_name="s")


@functools.partial(
    pl.kernel,
    out_type=jax.ShapeDtypeStruct((_B, _D), jnp.float32),
    mesh=_mesh,
    scratch_types=[
        pltpu.VMEM((_NCK, _CH), jnp.int32),
        pltpu.VMEM((_NCK, _CH, _D), jnp.float32),
        pltpu.SemaphoreType.DMA,
        pltpu.SemaphoreType.DMA,
        pltpu.SemaphoreType.DMA,
        pltpu.SemaphoreType.DMA,
        pltpu.SemaphoreType.DMA,
    ],
    compiler_params=pltpu.CompilerParams(needs_layout_passes=False),
)
def _lookup_normalize(idx_hbm, table_hbm, out_hbm, idx_v, rows_v,
                      g0, g1, g2, g3, s_out):
    wid = lax.axis_index("s") * _NC + lax.axis_index("c")
    base = wid * _BPW

    gsems = (g0, g1, g2, g3)
    pltpu.sync_copy(idx_hbm.at[wid, 0], idx_v.at[0])
    gcps = [
        pltpu.async_copy(table_hbm.at[idx_v.at[0]], rows_v.at[0], gsems[0])
    ]
    pltpu.sync_copy(idx_hbm.at[wid, pl.ds(1, _NCK - 1)],
                    idx_v.at[pl.ds(1, _NCK - 1)])
    for j in range(1, _NCK):
        gcps.append(
            pltpu.async_copy(table_hbm.at[idx_v.at[j]], rows_v.at[j],
                             gsems[j]))

    lanes = lax.iota(jnp.int32, 16)
    dnums = lax.GatherDimensionNumbers(
        offset_dims=(), collapsed_slice_dims=(0,), start_index_map=(0,))
    perms = [((lanes + s) & 15)[:, None] for s in (8, 4, 2, 1)]

    out_cps = []
    for j in range(_NCK):
        gcps[j].wait()

        @plsc.parallel_loop(0, _CH, 1, unroll=4)
        def row_body(r, j=j):
            vs = [rows_v[j, r, pl.ds(k * 16, 16)] for k in range(_NV)]
            sq = [v * v for v in vs]
            while len(sq) > 1:
                sq = [sq[i] + sq[i + 1] for i in range(0, len(sq), 2)]
            acc = sq[0]
            for p in perms:
                rot = lax.gather(
                    acc, p, dnums, slice_sizes=(1,),
                    mode=lax.GatherScatterMode.PROMISE_IN_BOUNDS)
                acc = acc + rot
            tv = jnp.maximum(acc, 1e-24)
            yi = jnp.int32(0x5F3759DF) - (plsc.bitcast(tv, jnp.int32) >> 1)
            y = plsc.bitcast(yi, jnp.float32)
            y = y * (1.5 - (tv * 0.5) * y * y)
            for k in range(_NV):
                rows_v[j, r, pl.ds(k * 16, 16)] = vs[k] * y

        out_cps.append(
            pltpu.async_copy(
                rows_v.at[j], out_hbm.at[pl.ds(base + j * _CH, _CH)], s_out
            )
        )

    for cp in out_cps:
        cp.wait()


def kernel(product_ids, table):
    ids = product_ids.astype(jnp.int32).reshape(_NW, _NCK, _CH)
    return _lookup_normalize(ids, table)

# --- scband reference (transcript-rebuilt; emitter-appended) ---
"""Pipeline reference for scband-behavioral-encoder-86182813761555 (READ-ONLY COPY).

The authoritative reference and input builder live on the scoring server;
editing this copy changes nothing except your own understanding.
"""

import jax, jax.numpy as jnp
import numpy as np

NUM_PRODUCTS = 1000000
EMBED_DIM = 128
BATCH = 16384


def setup_inputs(seed: int = 0) -> dict:
    key = jax.random.key(seed)
    k_ids, k_table = jax.random.split(key)
    product_ids = jax.random.randint(k_ids, (BATCH,), 0, NUM_PRODUCTS, dtype=jnp.int64 if jax.config.jax_enable_x64 else jnp.int32)
    table = jax.random.normal(k_table, (NUM_PRODUCTS, EMBED_DIM), dtype=jnp.float32)
    return {"product_ids": product_ids, "table": table}


def reference(product_ids, table):
    # embedding lookup (SparseCore gather)
    embeddings = jnp.take(table, product_ids, axis=0)  # [B, D]
    # F.normalize(p=2, dim=1) with eps=1e-12
    norm = jnp.linalg.norm(embeddings, ord=2, axis=1, keepdims=True)
    normalized = embeddings / jnp.maximum(norm, 1e-12)
    return normalized

if __name__ == "__main__":
    import jax
    _d = setup_inputs()
    print(jax.jit(kernel)(*tuple(_d.values())))

</pallas_src>

<mosaic_0001>
#map = affine_map<(d0, d1) -> (0, 0, 0)>
#map1 = affine_map<(d0, d1) -> (0, 0)>
module attributes {stable_mosaic.version = 14 : i64} {
  func.func @_lookup_normalize(%arg0: i32, %arg1: i32, %arg2: memref<32x4x128xi32, #tpu.memory_space<hbm>>, %arg3: memref<1000000x128xf32, #tpu.memory_space<hbm>>, %arg4: memref<16384x128xf32, #tpu.memory_space<hbm>>, %arg5: memref<4x128xi32, #tpu.memory_space<vmem>>, %arg6: memref<4x128x128xf32, #tpu.memory_space<vmem>>, %arg7: memref<!tpu.dma_semaphore, #tpu.memory_space<semaphore_mem>>, %arg8: memref<!tpu.dma_semaphore, #tpu.memory_space<semaphore_mem>>, %arg9: memref<!tpu.dma_semaphore, #tpu.memory_space<semaphore_mem>>, %arg10: memref<!tpu.dma_semaphore, #tpu.memory_space<semaphore_mem>>, %arg11: memref<!tpu.dma_semaphore, #tpu.memory_space<semaphore_mem>>) attributes {dimension_semantics = [#tpu.dimension_semantics<core_parallel>, #tpu.dimension_semantics<subcore_parallel>], iteration_bounds = array<i64: 2, 16>, scalar_prefetch = 0 : i64, scratch_operands = 7 : i64, tpu.core_type = #tpu.core_type<sc_vector_subcore>, window_params = [{transform_indices = #map}, {transform_indices = #map1}, {transform_indices = #map1}]} {
    %mul3A = arith.constant 2 : i32
    %mul3A_0 = arith.muli %arg1, %mul3A : i32
    %add3A = arith.addi %mul3A_0, %arg0 : i32
    %mul3A_1 = arith.constant 512 : i32
    %mul3A_2 = arith.muli %add3A, %mul3A_1 : i32
    %run_scoped3A = arith.constant 0 : i32
    %run_scoped3A_3 = arith.constant 0 : i32
    "tpu.region"() ({
      %run_scoped3A_247 = tpu.sem_alloc : memref<!tpu.dma_semaphore, #tpu.memory_space<semaphore_mem>>
      %dma_start3A_248 = arith.constant 0 : i32
      %dma_start3A_249 = tpu.memref_slice %arg5[%run_scoped3A_3, %dma_start3A_248] : memref<4x128xi32, #tpu.memory_space<vmem>> -> memref<1x128xi32, #tpu.memory_space<vmem>>
      %dma_start3A_250 = tpu.memref_squeeze %dma_start3A_249 : memref<1x128xi32, #tpu.memory_space<vmem>> -> memref<128xi32, #tpu.memory_space<vmem>>
      %dma_start3A_251 = arith.constant 0 : i32
      %dma_start3A_252 = tpu.memref_slice %arg2[%add3A, %run_scoped3A, %dma_start3A_251] : memref<32x4x128xi32, #tpu.memory_space<hbm>> -> memref<1x1x128xi32, #tpu.memory_space<hbm>>
      %dma_start3A_253 = tpu.memref_squeeze %dma_start3A_252 : memref<1x1x128xi32, #tpu.memory_space<hbm>> -> memref<128xi32, #tpu.memory_space<hbm>>
      %dma_start3A_254 = arith.constant 0 : i32
      %dma_start3A_255 = tpu.memref_slice %arg5[%run_scoped3A_3, %dma_start3A_254] : memref<4x128xi32, #tpu.memory_space<vmem>> -> memref<1x128xi32, #tpu.memory_space<vmem>>
      %dma_start3A_256 = tpu.memref_squeeze %dma_start3A_255 : memref<1x128xi32, #tpu.memory_space<vmem>> -> memref<128xi32, #tpu.memory_space<vmem>>
      %dma_start3A_257 = arith.constant 0 : i32
      %dma_start3A_258 = tpu.memref_slice %arg2[%add3A, %run_scoped3A, %dma_start3A_257] : memref<32x4x128xi32, #tpu.memory_space<hbm>> -> memref<1x1x128xi32, #tpu.memory_space<hbm>>
      %dma_start3A_259 = tpu.memref_squeeze %dma_start3A_258 : memref<1x1x128xi32, #tpu.memory_space<hbm>> -> memref<128xi32, #tpu.memory_space<hbm>>
      tpu.enqueue_dma source(%dma_start3A_259 : memref<128xi32, #tpu.memory_space<hbm>>) target(%dma_start3A_256 : memref<128xi32, #tpu.memory_space<vmem>>) target_semaphore(%run_scoped3A_247 : memref<!tpu.dma_semaphore, #tpu.memory_space<semaphore_mem>>)
      %dma_wait3A_260 = arith.constant 0 : i32
      %dma_wait3A_261 = tpu.memref_slice %arg5[%run_scoped3A_3, %dma_wait3A_260] : memref<4x128xi32, #tpu.memory_space<vmem>> -> memref<1x128xi32, #tpu.memory_space<vmem>>
      %dma_wait3A_262 = tpu.memref_squeeze %dma_wait3A_261 : memref<1x128xi32, #tpu.memory_space<vmem>> -> memref<128xi32, #tpu.memory_space<vmem>>
      %dma_wait3A_263 = arith.constant 0 : i32
      %dma_wait3A_264 = tpu.memref_slice %arg2[%add3A, %run_scoped3A, %dma_wait3A_263] : memref<32x4x128xi32, #tpu.memory_space<hbm>> -> memref<1x1x128xi32, #tpu.memory_space<hbm>>
      %dma_wait3A_265 = tpu.memref_squeeze %dma_wait3A_264 : memref<1x1x128xi32, #tpu.memory_space<hbm>> -> memref<128xi32, #tpu.memory_space<hbm>>
      %dma_wait3A_266 = arith.constant 0 : i32
      %dma_wait3A_267 = tpu.memref_slice %arg5[%run_scoped3A_3, %dma_wait3A_266] : memref<4x128xi32, #tpu.memory_space<vmem>> -> memref<1x128xi32, #tpu.memory_space<vmem>>
      %dma_wait3A_268 = tpu.memref_squeeze %dma_wait3A_267 : memref<1x128xi32, #tpu.memory_space<vmem>> -> memref<128xi32, #tpu.memory_space<vmem>>
      %dma_wait3A_269 = arith.constant 0 : i32
      %dma_wait3A_270 = tpu.memref_slice %arg2[%add3A, %run_scoped3A, %dma_wait3A_269] : memref<32x4x128xi32, #tpu.memory_space<hbm>> -> memref<1x1x128xi32, #tpu.memory_space<hbm>>
      %dma_wait3A_271 = tpu.memref_squeeze %dma_wait3A_270 : memref<1x1x128xi32, #tpu.memory_space<hbm>> -> memref<128xi32, #tpu.memory_space<hbm>>
      tpu.wait_dma2 semaphore(%run_scoped3A_247 : memref<!tpu.dma_semaphore, #tpu.memory_space<semaphore_mem>>) src(%dma_wait3A_271 : memref<128xi32, #tpu.memory_space<hbm>>) dst(%dma_wait3A_268 : memref<128xi32, #tpu.memory_space<vmem>>)
      tpu.yield
    }) : () -> ()
    %dma_start3A = arith.constant 0 : i32
    %dma_start3A_4 = arith.constant 0 : i32
    %dma_start3A_5 = arith.constant 0 : i32
    %dma_start3A_6 = arith.constant 0 : i32
    %dma_start3A_7 = tpu.memref_slice %arg6[%dma_start3A_4, %dma_start3A_5, %dma_start3A_6] : memref<4x128x128xf32, #tpu.memory_space<vmem>> -> memref<1x128x128xf32, #tpu.memory_space<vmem>>
    %dma_start3A_8 = tpu.memref_squeeze %dma_start3A_7 : memref<1x128x128xf32, #tpu.memory_space<vmem>> -> memref<128x128xf32, #tpu.memory_space<vmem>>
    %dma_start3A_9 = arith.constant 0 : i32
    %dma_start3A_10 = tpu.memref_slice %arg5[%dma_start3A, %dma_start3A_9] : memref<4x128xi32, #tpu.memory_space<vmem>> -> memref<1x128xi32, #tpu.memory_space<vmem>>
    %dma_start3A_11 = tpu.memref_squeeze %dma_start3A_10 : memref<1x128xi32, #tpu.memory_space<vmem>> -> memref<128xi32, #tpu.memory_space<vmem>>
    %dma_start3A_12 = arith.constant 0 : i32
    %dma_start3A_13 = arith.constant 0 : i32
    %dma_start3A_14 = tpu.memref_slice %arg3[%dma_start3A_12, %dma_start3A_13] : memref<1000000x128xf32, #tpu.memory_space<hbm>> -> memref<1000000x128xf32, #tpu.memory_space<hbm>>
    tpu.enqueue_indirect_dma source(%dma_start3A_14 : memref<1000000x128xf32, #tpu.memory_space<hbm>>) target(%dma_start3A_8 : memref<128x128xf32, #tpu.memory_space<vmem>>) offsets(%dma_start3A_11 : memref<128xi32, #tpu.memory_space<vmem>>) semaphore(%arg7 : memref<!tpu.dma_semaphore, #tpu.memory_space<semaphore_mem>>)
    "tpu.region"() ({
      %run_scoped3A_247 = tpu.sem_alloc : memref<!tpu.dma_semaphore, #tpu.memory_space<semaphore_mem>>
      %dma_start3A_248 = arith.constant 1 : i32
      %dma_start3A_249 = arith.constant 0 : i32
      %dma_start3A_250 = tpu.memref_slice %arg5[%dma_start3A_248, %dma_start3A_249] : memref<4x128xi32, #tpu.memory_space<vmem>> -> memref<3x128xi32, #tpu.memory_space<vmem>>
      %dma_start3A_251 = arith.constant 1 : i32
      %dma_start3A_252 = arith.constant 0 : i32
      %dma_start3A_253 = tpu.memref_slice %arg2[%add3A, %dma_start3A_251, %dma_start3A_252] : memref<32x4x128xi32, #tpu.memory_space<hbm>> -> memref<1x3x128xi32, #tpu.memory_space<hbm>>
      %dma_start3A_254 = tpu.memref_squeeze %dma_start3A_253 : memref<1x3x128xi32, #tpu.memory_space<hbm>> -> memref<3x128xi32, #tpu.memory_space<hbm>>
      %dma_start3A_255 = arith.constant 1 : i32
      %dma_start3A_256 = arith.constant 0 : i32
      %dma_start3A_257 = tpu.memref_slice %arg5[%dma_start3A_255, %dma_start3A_256] : memref<4x128xi32, #tpu.memory_space<vmem>> -> memref<3x128xi32, #tpu.memory_space<vmem>>
      %dma_start3A_258 = arith.constant 1 : i32
      %dma_start3A_259 = arith.constant 0 : i32
      %dma_start3A_260 = tpu.memref_slice %arg2[%add3A, %dma_start3A_258, %dma_start3A_259] : memref<32x4x128xi32, #tpu.memory_space<hbm>> -> memref<1x3x128xi32, #tpu.memory_space<hbm>>
      %dma_start3A_261 = tpu.memref_squeeze %dma_start3A_260 : memref<1x3x128xi32, #tpu.memory_space<hbm>> -> memref<3x128xi32, #tpu.memory_space<hbm>>
      tpu.enqueue_dma source(%dma_start3A_261 : memref<3x128xi32, #tpu.memory_space<hbm>>) target(%dma_start3A_257 : memref<3x128xi32, #tpu.memory_space<vmem>>) target_semaphore(%run_scoped3A_247 : memref<!tpu.dma_semaphore, #tpu.memory_space<semaphore_mem>>)
      %dma_wait3A_262 = arith.constant 1 : i32
      %dma_wait3A_263 = arith.constant 0 : i32
      %dma_wait3A_264 = tpu.memref_slice %arg5[%dma_wait3A_262, %dma_wait3A_263] : memref<4x128xi32, #tpu.memory_space<vmem>> -> memref<3x128xi32, #tpu.memory_space<vmem>>
      %dma_wait3A_265 = arith.constant 1 : i32
      %dma_wait3A_266 = arith.constant 0 : i32
      %dma_wait3A_267 = tpu.memref_slice %arg2[%add3A, %dma_wait3A_265, %dma_wait3A_266] : memref<32x4x128xi32, #tpu.memory_space<hbm>> -> memref<1x3x128xi32, #tpu.memory_space<hbm>>
      %dma_wait3A_268 = tpu.memref_squeeze %dma_wait3A_267 : memref<1x3x128xi32, #tpu.memory_space<hbm>> -> memref<3x128xi32, #tpu.memory_space<hbm>>
      %dma_wait3A_269 = arith.constant 1 : i32
      %dma_wait3A_270 = arith.constant 0 : i32
      %dma_wait3A_271 = tpu.memref_slice %arg5[%dma_wait3A_269, %dma_wait3A_270] : memref<4x128xi32, #tpu.memory_space<vmem>> -> memref<3x128xi32, #tpu.memory_space<vmem>>
      %dma_wait3A_272 = arith.constant 1 : i32
      %dma_wait3A_273 = arith.constant 0 : i32
      %dma_wait3A_274 = tpu.memref_slice %arg2[%add3A, %dma_wait3A_272, %dma_wait3A_273] : memref<32x4x128xi32, #tpu.memory_space<hbm>> -> memref<1x3x128xi32, #tpu.memory_space<hbm>>
      %dma_wait3A_275 = tpu.memref_squeeze %dma_wait3A_274 : memref<1x3x128xi32, #tpu.memory_space<hbm>> -> memref<3x128xi32, #tpu.memory_space<hbm>>
      tpu.wait_dma2 semaphore(%run_scoped3A_247 : memref<!tpu.dma_semaphore, #tpu.memory_space<semaphore_mem>>) src(%dma_wait3A_275 : memref<3x128xi32, #tpu.memory_space<hbm>>) dst(%dma_wait3A_271 : memref<3x128xi32, #tpu.memory_space<vmem>>)
      tpu.yield
    }) : () -> ()
    %dma_start3A_15 = arith.constant 1 : i32
    %dma_start3A_16 = arith.constant 1 : i32
    %dma_start3A_17 = arith.constant 0 : i32
    %dma_start3A_18 = arith.constant 0 : i32
    %dma_start3A_19 = tpu.memref_slice %arg6[%dma_start3A_16, %dma_start3A_17, %dma_start3A_18] : memref<4x128x128xf32, #tpu.memory_space<vmem>> -> memref<1x128x128xf32, #tpu.memory_space<vmem>>
    %dma_start3A_20 = tpu.memref_squeeze %dma_start3A_19 : memref<1x128x128xf32, #tpu.memory_space<vmem>> -> memref<128x128xf32, #tpu.memory_space<vmem>>
    %dma_start3A_21 = arith.constant 0 : i32
    %dma_start3A_22 = tpu.memref_slice %arg5[%dma_start3A_15, %dma_start3A_21] : memref<4x128xi32, #tpu.memory_space<vmem>> -> memref<1x128xi32, #tpu.memory_space<vmem>>
    %dma_start3A_23 = tpu.memref_squeeze %dma_start3A_22 : memref<1x128xi32, #tpu.memory_space<vmem>> -> memref<128xi32, #tpu.memory_space<vmem>>
    %dma_start3A_24 = arith.constant 0 : i32
    %dma_start3A_25 = arith.constant 0 : i32
    %dma_start3A_26 = tpu.memref_slice %arg3[%dma_start3A_24, %dma_start3A_25] : memref<1000000x128xf32, #tpu.memory_space<hbm>> -> memref<1000000x128xf32, #tpu.memory_space<hbm>>
    tpu.enqueue_indirect_dma source(%dma_start3A_26 : memref<1000000x128xf32, #tpu.memory_space<hbm>>) target(%dma_start3A_20 : memref<128x128xf32, #tpu.memory_space<vmem>>) offsets(%dma_start3A_23 : memref<128xi32, #tpu.memory_space<vmem>>) semaphore(%arg8 : memref<!tpu.dma_semaphore, #tpu.memory_space<semaphore_mem>>)
    %dma_start3A_27 = arith.constant 2 : i32
    %dma_start3A_28 = arith.constant 2 : i32
    %dma_start3A_29 = arith.constant 0 : i32
    %dma_start3A_30 = arith.constant 0 : i32
    %dma_start3A_31 = tpu.memref_slice %arg6[%dma_start3A_28, %dma_start3A_29, %dma_start3A_30] : memref<4x128x128xf32, #tpu.memory_space<vmem>> -> memref<1x128x128xf32, #tpu.memory_space<vmem>>
    %dma_start3A_32 = tpu.memref_squeeze %dma_start3A_31 : memref<1x128x128xf32, #tpu.memory_space<vmem>> -> memref<128x128xf32, #tpu.memory_space<vmem>>
    %dma_start3A_33 = arith.constant 0 : i32
    %dma_start3A_34 = tpu.memref_slice %arg5[%dma_start3A_27, %dma_start3A_33] : memref<4x128xi32, #tpu.memory_space<vmem>> -> memref<1x128xi32, #tpu.memory_space<vmem>>
    %dma_start3A_35 = tpu.memref_squeeze %dma_start3A_34 : memref<1x128xi32, #tpu.memory_space<vmem>> -> memref<128xi32, #tpu.memory_space<vmem>>
    %dma_start3A_36 = arith.constant 0 : i32
    %dma_start3A_37 = arith.constant 0 : i32
    %dma_start3A_38 = tpu.memref_slice %arg3[%dma_start3A_36, %dma_start3A_37] : memref<1000000x128xf32, #tpu.memory_space<hbm>> -> memref<1000000x128xf32, #tpu.memory_space<hbm>>
    tpu.enqueue_indirect_dma source(%dma_start3A_38 : memref<1000000x128xf32, #tpu.memory_space<hbm>>) target(%dma_start3A_32 : memref<128x128xf32, #tpu.memory_space<vmem>>) offsets(%dma_start3A_35 : memref<128xi32, #tpu.memory_space<vmem>>) semaphore(%arg9 : memref<!tpu.dma_semaphore, #tpu.memory_space<semaphore_mem>>)
    %dma_start3A_39 = arith.constant 3 : i32
    %dma_start3A_40 = arith.constant 3 : i32
    %dma_start3A_41 = arith.constant 0 : i32
    %dma_start3A_42 = arith.constant 0 : i32
    %dma_start3A_43 = tpu.memref_slice %arg6[%dma_start3A_40, %dma_start3A_41, %dma_start3A_42] : memref<4x128x128xf32, #tpu.memory_space<vmem>> -> memref<1x128x128xf32, #tpu.memory_space<vmem>>
    %dma_start3A_44 = tpu.memref_squeeze %dma_start3A_43 : memref<1x128x128xf32, #tpu.memory_space<vmem>> -> memref<128x128xf32, #tpu.memory_space<vmem>>
    %dma_start3A_45 = arith.constant 0 : i32
    %dma_start3A_46 = tpu.memref_slice %arg5[%dma_start3A_39, %dma_start3A_45] : memref<4x128xi32, #tpu.memory_space<vmem>> -> memref<1x128xi32, #tpu.memory_space<vmem>>
    %dma_start3A_47 = tpu.memref_squeeze %dma_start3A_46 : memref<1x128xi32, #tpu.memory_space<vmem>> -> memref<128xi32, #tpu.memory_space<vmem>>
    %dma_start3A_48 = arith.constant 0 : i32
    %dma_start3A_49 = arith.constant 0 : i32
    %dma_start3A_50 = tpu.memref_slice %arg3[%dma_start3A_48, %dma_start3A_49] : memref<1000000x128xf32, #tpu.memory_space<hbm>> -> memref<1000000x128xf32, #tpu.memory_space<hbm>>
    tpu.enqueue_indirect_dma source(%dma_start3A_50 : memref<1000000x128xf32, #tpu.memory_space<hbm>>) target(%dma_start3A_44 : memref<128x128xf32, #tpu.memory_space<vmem>>) offsets(%dma_start3A_47 : memref<128xi32, #tpu.memory_space<vmem>>) semaphore(%arg10 : memref<!tpu.dma_semaphore, #tpu.memory_space<semaphore_mem>>)
    %iota3A = tpu.iota {dimensions = array<i32: 0>} : vector<16xi32>
    %add3A_51 = arith.constant 8 : i32
    %add3A_52 = vector.broadcast %add3A_51 : i32 to vector<16xi32>
    %add3A_53 = arith.addi %iota3A, %add3A_52 : vector<16xi32>
    %and3A = arith.constant 15 : i32
    %and3A_54 = vector.broadcast %and3A : i32 to vector<16xi32>
    %and3A_55 = arith.andi %add3A_53, %and3A_54 : vector<16xi32>
    %broadcast_in_dim3A = vector.shape_cast %and3A_55 : vector<16xi32> to vector<16x1xi32>
    %add3A_56 = arith.constant 4 : i32
    %add3A_57 = vector.broadcast %add3A_56 : i32 to vector<16xi32>
    %add3A_58 = arith.addi %iota3A, %add3A_57 : vector<16xi32>
    %and3A_59 = arith.constant 15 : i32
    %and3A_60 = vector.broadcast %and3A_59 : i32 to vector<16xi32>
    %and3A_61 = arith.andi %add3A_58, %and3A_60 : vector<16xi32>
    %broadcast_in_dim3A_62 = vector.shape_cast %and3A_61 : vector<16xi32> to vector<16x1xi32>
    %add3A_63 = arith.constant 2 : i32
    %add3A_64 = vector.broadcast %add3A_63 : i32 to vector<16xi32>
    %add3A_65 = arith.addi %iota3A, %add3A_64 : vector<16xi32>
    %and3A_66 = arith.constant 15 : i32
    %and3A_67 = vector.broadcast %and3A_66 : i32 to vector<16xi32>
    %and3A_68 = arith.andi %add3A_65, %and3A_67 : vector<16xi32>
    %broadcast_in_dim3A_69 = vector.shape_cast %and3A_68 : vector<16xi32> to vector<16x1xi32>
    %add3A_70 = arith.constant 1 : i32
    %add3A_71 = vector.broadcast %add3A_70 : i32 to vector<16xi32>
    %add3A_72 = arith.addi %iota3A, %add3A_71 : vector<16xi32>
    %and3A_73 = arith.constant 15 : i32
    %and3A_74 = vector.broadcast %and3A_73 : i32 to vector<16xi32>
    %and3A_75 = arith.andi %add3A_72, %and3A_74 : vector<16xi32>
    %broadcast_in_dim3A_76 = vector.shape_cast %and3A_75 : vector<16xi32> to vector<16x1xi32>
    %dma_wait3A = arith.constant 0 : i32
    %dma_wait3A_77 = arith.constant 0 : i32
    %dma_wait3A_78 = arith.constant 0 : i32
    %dma_wait3A_79 = arith.constant 0 : i32
    %dma_wait3A_80 = tpu.memref_slice %arg6[%dma_wait3A_77, %dma_wait3A_78, %dma_wait3A_79] : memref<4x128x128xf32, #tpu.memory_space<vmem>> -> memref<1x128x128xf32, #tpu.memory_space<vmem>>
    %dma_wait3A_81 = tpu.memref_squeeze %dma_wait3A_80 : memref<1x128x128xf32, #tpu.memory_space<vmem>> -> memref<128x128xf32, #tpu.memory_space<vmem>>
    %dma_wait3A_82 = arith.constant 0 : i32
    %dma_wait3A_83 = tpu.memref_slice %arg5[%dma_wait3A, %dma_wait3A_82] : memref<4x128xi32, #tpu.memory_space<vmem>> -> memref<1x128xi32, #tpu.memory_space<vmem>>
    %dma_wait3A_84 = tpu.memref_squeeze %dma_wait3A_83 : memref<1x128xi32, #tpu.memory_space<vmem>> -> memref<128xi32, #tpu.memory_space<vmem>>
    %dma_wait3A_85 = arith.constant 0 : i32
    %dma_wait3A_86 = arith.constant 0 : i32
    %dma_wait3A_87 = tpu.memref_slice %arg3[%dma_wait3A_85, %dma_wait3A_86] : memref<1000000x128xf32, #tpu.memory_space<hbm>> -> memref<1000000x128xf32, #tpu.memory_space<hbm>>
    tpu.wait_indirect_dma semaphore(%arg7 : memref<!tpu.dma_semaphore, #tpu.memory_space<semaphore_mem>>) src(%dma_wait3A_87 : memref<1000000x128xf32, #tpu.memory_space<hbm>>) dst(%dma_wait3A_81 : memref<128x128xf32, #tpu.memory_space<vmem>>)
    %parallel_loop3A = arith.constant 0 : i32
    %parallel_loop3A_88 = arith.constant 128 : i32
    %parallel_loop3A_89 = arith.constant 1 : i32
    scf.for %parallel_loop3A_247 = %parallel_loop3A to %parallel_loop3A_88 step %parallel_loop3A_89  : i32 {
      %parallel_loop3A_248 = arith.constant 0 : i32
      %parallel_loop3A_249 = arith.index_cast %parallel_loop3A_248 : i32 to index
      %parallel_loop3A_250 = arith.index_cast %parallel_loop3A_247 : i32 to index
      %parallel_loop3A_251 = arith.constant 0 : index
      %parallel_loop3A_252 = tpu.vector_load %arg6[%parallel_loop3A_249, %parallel_loop3A_250, %parallel_loop3A_251] {strides = array<i32>} : memref<4x128x128xf32, #tpu.memory_space<vmem>>, vector<16xf32>,
      %parallel_loop3A_253 = arith.constant 0 : i32
      %parallel_loop3A_254 = arith.index_cast %parallel_loop3A_253 : i32 to index
      %parallel_loop3A_255 = arith.index_cast %parallel_loop3A_247 : i32 to index
      %parallel_loop3A_256 = arith.constant 16 : index
      %parallel_loop3A_257 = tpu.vector_load %arg6[%parallel_loop3A_254, %parallel_loop3A_255, %parallel_loop3A_256] {strides = array<i32>} : memref<4x128x128xf32, #tpu.memory_space<vmem>>, vector<16xf32>,
      %parallel_loop3A_258 = arith.constant 0 : i32
      %parallel_loop3A_259 = arith.index_cast %parallel_loop3A_258 : i32 to index
      %parallel_loop3A_260 = arith.index_cast %parallel_loop3A_247 : i32 to index
      %parallel_loop3A_261 = arith.constant 32 : index
      %parallel_loop3A_262 = tpu.vector_load %arg6[%parallel_loop3A_259, %parallel_loop3A_260, %parallel_loop3A_261] {strides = array<i32>} : memref<4x128x128xf32, #tpu.memory_space<vmem>>, vector<16xf32>,
      %parallel_loop3A_263 = arith.constant 0 : i32
      %parallel_loop3A_264 = arith.index_cast %parallel_loop3A_263 : i32 to index
      %parallel_loop3A_265 = arith.index_cast %parallel_loop3A_247 : i32 to index
      %parallel_loop3A_266 = arith.constant 48 : index
      %parallel_loop3A_267 = tpu.vector_load %arg6[%parallel_loop3A_264, %parallel_loop3A_265, %parallel_loop3A_266] {strides = array<i32>} : memref<4x128x128xf32, #tpu.memory_space<vmem>>, vector<16xf32>,
      %parallel_loop3A_268 = arith.constant 0 : i32
      %parallel_loop3A_269 = arith.index_cast %parallel_loop3A_268 : i32 to index
      %parallel_loop3A_270 = arith.index_cast %parallel_loop3A_247 : i32 to index
      %parallel_loop3A_271 = arith.constant 64 : index
      %parallel_loop3A_272 = tpu.vector_load %arg6[%parallel_loop3A_269, %parallel_loop3A_270, %parallel_loop3A_271] {strides = array<i32>} : memref<4x128x128xf32, #tpu.memory_space<vmem>>, vector<16xf32>,
      %parallel_loop3A_273 = arith.constant 0 : i32
      %parallel_loop3A_274 = arith.index_cast %parallel_loop3A_273 : i32 to index
      %parallel_loop3A_275 = arith.index_cast %parallel_loop3A_247 : i32 to index
      %parallel_loop3A_276 = arith.constant 80 : index
      %parallel_loop3A_277 = tpu.vector_load %arg6[%parallel_loop3A_274, %parallel_loop3A_275, %parallel_loop3A_276] {strides = array<i32>} : memref<4x128x128xf32, #tpu.memory_space<vmem>>, vector<16xf32>,
      %parallel_loop3A_278 = arith.constant 0 : i32
      %parallel_loop3A_279 = arith.index_cast %parallel_loop3A_278 : i32 to index
      %parallel_loop3A_280 = arith.index_cast %parallel_loop3A_247 : i32 to index
      %parallel_loop3A_281 = arith.constant 96 : index
      %parallel_loop3A_282 = tpu.vector_load %arg6[%parallel_loop3A_279, %parallel_loop3A_280, %parallel_loop3A_281] {strides = array<i32>} : memref<4x128x128xf32, #tpu.memory_space<vmem>>, vector<16xf32>,
      %parallel_loop3A_283 = arith.constant 0 : i32
      %parallel_loop3A_284 = arith.index_cast %parallel_loop3A_283 : i32 to index
      %parallel_loop3A_285 = arith.index_cast %parallel_loop3A_247 : i32 to index
      %parallel_loop3A_286 = arith.constant 112 : index
      %parallel_loop3A_287 = tpu.vector_load %arg6[%parallel_loop3A_284, %parallel_loop3A_285, %parallel_loop3A_286] {strides = array<i32>} : memref<4x128x128xf32, #tpu.memory_space<vmem>>, vector<16xf32>,
      %parallel_loop3A_288 = arith.mulf %parallel_loop3A_252, %parallel_loop3A_252 : vector<16xf32>
      %parallel_loop3A_289 = arith.mulf %parallel_loop3A_257, %parallel_loop3A_257 : vector<16xf32>
      %parallel_loop3A_290 = arith.mulf %parallel_loop3A_262, %parallel_loop3A_262 : vector<16xf32>
      %parallel_loop3A_291 = arith.mulf %parallel_loop3A_267, %parallel_loop3A_267 : vector<16xf32>
      %parallel_loop3A_292 = arith.mulf %parallel_loop3A_272, %parallel_loop3A_272 : vector<16xf32>
      %parallel_loop3A_293 = arith.mulf %parallel_loop3A_277, %parallel_loop3A_277 : vector<16xf32>
      %parallel_loop3A_294 = arith.mulf %parallel_loop3A_282, %parallel_loop3A_282 : vector<16xf32>
      %parallel_loop3A_295 = arith.mulf %parallel_loop3A_287, %parallel_loop3A_287 : vector<16xf32>
      %parallel_loop3A_296 = arith.addf %parallel_loop3A_288, %parallel_loop3A_289 : vector<16xf32>
      %parallel_loop3A_297 = arith.addf %parallel_loop3A_290, %parallel_loop3A_291 : vector<16xf32>
      %parallel_loop3A_298 = arith.addf %parallel_loop3A_292, %parallel_loop3A_293 : vector<16xf32>
      %parallel_loop3A_299 = arith.addf %parallel_loop3A_294, %parallel_loop3A_295 : vector<16xf32>
      %parallel_loop3A_300 = arith.addf %parallel_loop3A_296, %parallel_loop3A_297 : vector<16xf32>
      %parallel_loop3A_301 = arith.addf %parallel_loop3A_298, %parallel_loop3A_299 : vector<16xf32>
      %parallel_loop3A_302 = arith.addf %parallel_loop3A_300, %parallel_loop3A_301 : vector<16xf32>
      %parallel_loop3A_303 = vector.shape_cast %broadcast_in_dim3A : vector<16x1xi32> to vector<16xi32>
      %parallel_loop3A_304 = tpu.dynamic_gather %parallel_loop3A_302[%parallel_loop3A_303] in [0] : vector<16xf32>, vector<16xi32> -> vector<16xf32>
      %parallel_loop3A_305 = arith.addf %parallel_loop3A_302, %parallel_loop3A_304 : vector<16xf32>
      %parallel_loop3A_306 = vector.shape_cast %broadcast_in_dim3A_62 : vector<16x1xi32> to vector<16xi32>
      %parallel_loop3A_307 = tpu.dynamic_gather %parallel_loop3A_305[%parallel_loop3A_306] in [0] : vector<16xf32>, vector<16xi32> -> vector<16xf32>
      %parallel_loop3A_308 = arith.addf %parallel_loop3A_305, %parallel_loop3A_307 : vector<16xf32>
      %parallel_loop3A_309 = vector.shape_cast %broadcast_in_dim3A_69 : vector<16x1xi32> to vector<16xi32>
      %parallel_loop3A_310 = tpu.dynamic_gather %parallel_loop3A_308[%parallel_loop3A_309] in [0] : vector<16xf32>, vector<16xi32> -> vector<16xf32>
      %parallel_loop3A_311 = arith.addf %parallel_loop3A_308, %parallel_loop3A_310 : vector<16xf32>
      %parallel_loop3A_312 = vector.shape_cast %broadcast_in_dim3A_76 : vector<16x1xi32> to vector<16xi32>
      %parallel_loop3A_313 = tpu.dynamic_gather %parallel_loop3A_311[%parallel_loop3A_312] in [0] : vector<16xf32>, vector<16xi32> -> vector<16xf32>
      %parallel_loop3A_314 = arith.addf %parallel_loop3A_311, %parallel_loop3A_313 : vector<16xf32>
      %parallel_loop3A_315 = arith.constant 1.000000e-24 : f32
      %parallel_loop3A_316 = vector.broadcast %parallel_loop3A_315 : f32 to vector<16xf32>
      %parallel_loop3A_317 = arith.maximumf %parallel_loop3A_314, %parallel_loop3A_316 : vector<16xf32>
      %parallel_loop3A_318 = vector.bitcast %parallel_loop3A_317 : vector<16xf32> to vector<16xi32>
      %parallel_loop3A_319 = arith.constant 1 : i32
      %parallel_loop3A_320 = vector.broadcast %parallel_loop3A_319 : i32 to vector<16xi32>
      %parallel_loop3A_321 = arith.shrsi %parallel_loop3A_318, %parallel_loop3A_320 : vector<16xi32>
      %parallel_loop3A_322 = arith.constant 1597463007 : i32
      %parallel_loop3A_323 = vector.broadcast %parallel_loop3A_322 : i32 to vector<16xi32>
      %parallel_loop3A_324 = arith.subi %parallel_loop3A_323, %parallel_loop3A_321 : vector<16xi32>
      %parallel_loop3A_325 = vector.bitcast %parallel_loop3A_324 : vector<16xi32> to vector<16xf32>
      %parallel_loop3A_326 = arith.constant 5.000000e-01 : f32
      %parallel_loop3A_327 = vector.broadcast %parallel_loop3A_326 : f32 to vector<16xf32>
      %parallel_loop3A_328 = arith.mulf %parallel_loop3A_317, %parallel_loop3A_327 : vector<16xf32>
      %parallel_loop3A_329 = arith.mulf %parallel_loop3A_328, %parallel_loop3A_325 : vector<16xf32>
      %parallel_loop3A_330 = arith.mulf %parallel_loop3A_329, %parallel_loop3A_325 : vector<16xf32>
      %parallel_loop3A_331 = arith.constant 1.500000e+00 : f32
      %parallel_loop3A_332 = vector.broadcast %parallel_loop3A_331 : f32 to vector<16xf32>
      %parallel_loop3A_333 = arith.subf %parallel_loop3A_332, %parallel_loop3A_330 : vector<16xf32>
      %parallel_loop3A_334 = arith.mulf %parallel_loop3A_325, %parallel_loop3A_333 : vector<16xf32>
      %parallel_loop3A_335 = arith.mulf %parallel_loop3A_252, %parallel_loop3A_334 : vector<16xf32>
      %parallel_loop3A_336 = arith.constant 0 : i32
      %parallel_loop3A_337 = arith.index_cast %parallel_loop3A_336 : i32 to index
      %parallel_loop3A_338 = arith.index_cast %parallel_loop3A_247 : i32 to index
      %parallel_loop3A_339 = arith.constant 0 : index
      %parallel_loop3A_340 = tpu.vector_load %arg6[%parallel_loop3A_337, %parallel_loop3A_338, %parallel_loop3A_339] {strides = array<i32>} : memref<4x128x128xf32, #tpu.memory_space<vmem>>, vector<16xf32>,
      tpu.vector_store %arg6[%parallel_loop3A_337, %parallel_loop3A_338, %parallel_loop3A_339], %parallel_loop3A_335 {strides = array<i32>} : memref<4x128x128xf32, #tpu.memory_space<vmem>>, vector<16xf32>,
      %parallel_loop3A_341 = arith.mulf %parallel_loop3A_257, %parallel_loop3A_334 : vector<16xf32>
      %parallel_loop3A_342 = arith.constant 0 : i32
      %parallel_loop3A_343 = arith.index_cast %parallel_loop3A_342 : i32 to index
      %parallel_loop3A_344 = arith.index_cast %parallel_loop3A_247 : i32 to index
      %parallel_loop3A_345 = arith.constant 16 : index
      %parallel_loop3A_346 = tpu.vector_load %arg6[%parallel_loop3A_343, %parallel_loop3A_344, %parallel_loop3A_345] {strides = array<i32>} : memref<4x128x128xf32, #tpu.memory_space<vmem>>, vector<16xf32>,
      tpu.vector_store %arg6[%parallel_loop3A_343, %parallel_loop3A_344, %parallel_loop3A_345], %parallel_loop3A_341 {strides = array<i32>} : memref<4x128x128xf32, #tpu.memory_space<vmem>>, vector<16xf32>,
      %parallel_loop3A_347 = arith.mulf %parallel_loop3A_262, %parallel_loop3A_334 : vector<16xf32>
      %parallel_loop3A_348 = arith.constant 0 : i32
      %parallel_loop3A_349 = arith.index_cast %parallel_loop3A_348 : i32 to index
      %parallel_loop3A_350 = arith.index_cast %parallel_loop3A_247 : i32 to index
      %parallel_loop3A_351 = arith.constant 32 : index
      %parallel_loop3A_352 = tpu.vector_load %arg6[%parallel_loop3A_349, %parallel_loop3A_350, %parallel_loop3A_351] {strides = array<i32>} : memref<4x128x128xf32, #tpu.memory_space<vmem>>, vector<16xf32>,
      tpu.vector_store %arg6[%parallel_loop3A_349, %parallel_loop3A_350, %parallel_loop3A_351], %parallel_loop3A_347 {strides = array<i32>} : memref<4x128x128xf32, #tpu.memory_space<vmem>>, vector<16xf32>,
      %parallel_loop3A_353 = arith.mulf %parallel_loop3A_267, %parallel_loop3A_334 : vector<16xf32>
      %parallel_loop3A_354 = arith.constant 0 : i32
      %parallel_loop3A_355 = arith.index_cast %parallel_loop3A_354 : i32 to index
      %parallel_loop3A_356 = arith.index_cast %parallel_loop3A_247 : i32 to index
      %parallel_loop3A_357 = arith.constant 48 : index
      %parallel_loop3A_358 = tpu.vector_load %arg6[%parallel_loop3A_355, %parallel_loop3A_356, %parallel_loop3A_357] {strides = array<i32>} : memref<4x128x128xf32, #tpu.memory_space<vmem>>, vector<16xf32>,
      tpu.vector_store %arg6[%parallel_loop3A_355, %parallel_loop3A_356, %parallel_loop3A_357], %parallel_loop3A_353 {strides = array<i32>} : memref<4x128x128xf32, #tpu.memory_space<vmem>>, vector<16xf32>,
      %parallel_loop3A_359 = arith.mulf %parallel_loop3A_272, %parallel_loop3A_334 : vector<16xf32>
      %parallel_loop3A_360 = arith.constant 0 : i32
      %parallel_loop3A_361 = arith.index_cast %parallel_loop3A_360 : i32 to index
      %parallel_loop3A_362 = arith.index_cast %parallel_loop3A_247 : i32 to index
      %parallel_loop3A_363 = arith.constant 64 : index
      %parallel_loop3A_364 = tpu.vector_load %arg6[%parallel_loop3A_361, %parallel_loop3A_362, %parallel_loop3A_363] {strides = array<i32>} : memref<4x128x128xf32, #tpu.memory_space<vmem>>, vector<16xf32>,
      tpu.vector_store %arg6[%parallel_loop3A_361, %parallel_loop3A_362, %parallel_loop3A_363], %parallel_loop3A_359 {strides = array<i32>} : memref<4x128x128xf32, #tpu.memory_space<vmem>>, vector<16xf32>,
      %parallel_loop3A_365 = arith.mulf %parallel_loop3A_277, %parallel_loop3A_334 : vector<16xf32>
      %parallel_loop3A_366 = arith.constant 0 : i32
      %parallel_loop3A_367 = arith.index_cast %parallel_loop3A_366 : i32 to index
      %parallel_loop3A_368 = arith.index_cast %parallel_loop3A_247 : i32 to index
      %parallel_loop3A_369 = arith.constant 80 : index
      %parallel_loop3A_370 = tpu.vector_load %arg6[%parallel_loop3A_367, %parallel_loop3A_368, %parallel_loop3A_369] {strides = array<i32>} : memref<4x128x128xf32, #tpu.memory_space<vmem>>, vector<16xf32>,
      tpu.vector_store %arg6[%parallel_loop3A_367, %parallel_loop3A_368, %parallel_loop3A_369], %parallel_loop3A_365 {strides = array<i32>} : memref<4x128x128xf32, #tpu.memory_space<vmem>>, vector<16xf32>,
      %parallel_loop3A_371 = arith.mulf %parallel_loop3A_282, %parallel_loop3A_334 : vector<16xf32>
      %parallel_loop3A_372 = arith.constant 0 : i32
      %parallel_loop3A_373 = arith.index_cast %parallel_loop3A_372 : i32 to index
      %parallel_loop3A_374 = arith.index_cast %parallel_loop3A_247 : i32 to index
      %parallel_loop3A_375 = arith.constant 96 : index
      %parallel_loop3A_376 = tpu.vector_load %arg6[%parallel_loop3A_373, %parallel_loop3A_374, %parallel_loop3A_375] {strides = array<i32>} : memref<4x128x128xf32, #tpu.memory_space<vmem>>, vector<16xf32>,
      tpu.vector_store %arg6[%parallel_loop3A_373, %parallel_loop3A_374, %parallel_loop3A_375], %parallel_loop3A_371 {strides = array<i32>} : memref<4x128x128xf32, #tpu.memory_space<vmem>>, vector<16xf32>,
      %parallel_loop3A_377 = arith.mulf %parallel_loop3A_287, %parallel_loop3A_334 : vector<16xf32>
      %parallel_loop3A_378 = arith.constant 0 : i32
      %parallel_loop3A_379 = arith.index_cast %parallel_loop3A_378 : i32 to index
      %parallel_loop3A_380 = arith.index_cast %parallel_loop3A_247 : i32 to index
      %parallel_loop3A_381 = arith.constant 112 : index
      %parallel_loop3A_382 = tpu.vector_load %arg6[%parallel_loop3A_379, %parallel_loop3A_380, %parallel_loop3A_381] {strides = array<i32>} : memref<4x128x128xf32, #tpu.memory_space<vmem>>, vector<16xf32>,
      tpu.vector_store %arg6[%parallel_loop3A_379, %parallel_loop3A_380, %parallel_loop3A_381], %parallel_loop3A_377 {strides = array<i32>} : memref<4x128x128xf32, #tpu.memory_space<vmem>>, vector<16xf32>,
    } {sc.loop_unroll_factor = 4 : i64, sc.parallel_access}
    %add3A_90 = arith.constant 0 : i32
    %add3A_91 = arith.addi %mul3A_2, %add3A_90 : i32
    %dma_start3A_92 = arith.constant 0 : i32
    %dma_start3A_93 = arith.constant 0 : i32
    %dma_start3A_94 = arith.constant 0 : i32
    %dma_start3A_95 = tpu.memref_slice %arg6[%dma_start3A_92, %dma_start3A_93, %dma_start3A_94] : memref<4x128x128xf32, #tpu.memory_space<vmem>> -> memref<1x128x128xf32, #tpu.memory_space<vmem>>
    %dma_start3A_96 = tpu.memref_squeeze %dma_start3A_95 : memref<1x128x128xf32, #tpu.memory_space<vmem>> -> memref<128x128xf32, #tpu.memory_space<vmem>>
    %dma_start3A_97 = arith.constant 0 : i32
    %dma_start3A_98 = tpu.memref_slice %arg4[%add3A_91, %dma_start3A_97] : memref<16384x128xf32, #tpu.memory_space<hbm>> -> memref<128x128xf32, #tpu.memory_space<hbm>>
    %dma_start3A_99 = arith.constant 0 : i32
    %dma_start3A_100 = tpu.memref_slice %arg4[%add3A_91, %dma_start3A_99] : memref<16384x128xf32, #tpu.memory_space<hbm>> -> memref<128x128xf32, #tpu.memory_space<hbm>>
    %dma_start3A_101 = arith.constant 0 : i32
    %dma_start3A_102 = arith.constant 0 : i32
    %dma_start3A_103 = tpu.memref_slice %arg6[%dma_start3A_92, %dma_start3A_101, %dma_start3A_102] : memref<4x128x128xf32, #tpu.memory_space<vmem>> -> memref<1x128x128xf32, #tpu.memory_space<vmem>>
    %dma_start3A_104 = tpu.memref_squeeze %dma_start3A_103 : memref<1x128x128xf32, #tpu.memory_space<vmem>> -> memref<128x128xf32, #tpu.memory_space<vmem>>
    tpu.enqueue_dma source(%dma_start3A_104 : memref<128x128xf32, #tpu.memory_space<vmem>>) target(%dma_start3A_100 : memref<128x128xf32, #tpu.memory_space<hbm>>) target_semaphore(%arg11 : memref<!tpu.dma_semaphore, #tpu.memory_space<semaphore_mem>>)
    %dma_wait3A_105 = arith.constant 1 : i32
    %dma_wait3A_106 = arith.constant 1 : i32
    %dma_wait3A_107 = arith.constant 0 : i32
    %dma_wait3A_108 = arith.constant 0 : i32
    %dma_wait3A_109 = tpu.memref_slice %arg6[%dma_wait3A_106, %dma_wait3A_107, %dma_wait3A_108] : memref<4x128x128xf32, #tpu.memory_space<vmem>> -> memref<1x128x128xf32, #tpu.memory_space<vmem>>
    %dma_wait3A_110 = tpu.memref_squeeze %dma_wait3A_109 : memref<1x128x128xf32, #tpu.memory_space<vmem>> -> memref<128x128xf32, #tpu.memory_space<vmem>>
    %dma_wait3A_111 = arith.constant 0 : i32
    %dma_wait3A_112 = tpu.memref_slice %arg5[%dma_wait3A_105, %dma_wait3A_111] : memref<4x128xi32, #tpu.memory_space<vmem>> -> memref<1x128xi32, #tpu.memory_space<vmem>>
    %dma_wait3A_113 = tpu.memref_squeeze %dma_wait3A_112 : memref<1x128xi32, #tpu.memory_space<vmem>> -> memref<128xi32, #tpu.memory_space<vmem>>
    %dma_wait3A_114 = arith.constant 0 : i32
    %dma_wait3A_115 = arith.constant 0 : i32
    %dma_wait3A_116 = tpu.memref_slice %arg3[%dma_wait3A_114, %dma_wait3A_115] : memref<1000000x128xf32, #tpu.memory_space<hbm>> -> memref<1000000x128xf32, #tpu.memory_space<hbm>>
    tpu.wait_indirect_dma semaphore(%arg8 : memref<!tpu.dma_semaphore, #tpu.memory_space<semaphore_mem>>) src(%dma_wait3A_116 : memref<1000000x128xf32, #tpu.memory_space<hbm>>) dst(%dma_wait3A_110 : memref<128x128xf32, #tpu.memory_space<vmem>>)
    %parallel_loop3A_117 = arith.constant 0 : i32
    %parallel_loop3A_118 = arith.constant 128 : i32
    %parallel_loop3A_119 = arith.constant 1 : i32
    scf.for %parallel_loop3A_247 = %parallel_loop3A_117 to %parallel_loop3A_118 step %parallel_loop3A_119  : i32 {
      %parallel_loop3A_248 = arith.constant 1 : i32
      %parallel_loop3A_249 = arith.index_cast %parallel_loop3A_248 : i32 to index
      %parallel_loop3A_250 = arith.index_cast %parallel_loop3A_247 : i32 to index
      %parallel_loop3A_251 = arith.constant 0 : index
      %parallel_loop3A_252 = tpu.vector_load %arg6[%parallel_loop3A_249, %parallel_loop3A_250, %parallel_loop3A_251] {strides = array<i32>} : memref<4x128x128xf32, #tpu.memory_space<vmem>>, vector<16xf32>,
      %parallel_loop3A_253 = arith.constant 1 : i32
      %parallel_loop3A_254 = arith.index_cast %parallel_loop3A_253 : i32 to index
      %parallel_loop3A_255 = arith.index_cast %parallel_loop3A_247 : i32 to index
      %parallel_loop3A_256 = arith.constant 16 : index
      %parallel_loop3A_257 = tpu.vector_load %arg6[%parallel_loop3A_254, %parallel_loop3A_255, %parallel_loop3A_256] {strides = array<i32>} : memref<4x128x128xf32, #tpu.memory_space<vmem>>, vector<16xf32>,
      %parallel_loop3A_258 = arith.constant 1 : i32
      %parallel_loop3A_259 = arith.index_cast %parallel_loop3A_258 : i32 to index
      %parallel_loop3A_260 = arith.index_cast %parallel_loop3A_247 : i32 to index
      %parallel_loop3A_261 = arith.constant 32 : index
      %parallel_loop3A_262 = tpu.vector_load %arg6[%parallel_loop3A_259, %parallel_loop3A_260, %parallel_loop3A_261] {strides = array<i32>} : memref<4x128x128xf32, #tpu.memory_space<vmem>>, vector<16xf32>,
      %parallel_loop3A_263 = arith.constant 1 : i32
      %parallel_loop3A_264 = arith.index_cast %parallel_loop3A_263 : i32 to index
      %parallel_loop3A_265 = arith.index_cast %parallel_loop3A_247 : i32 to index
      %parallel_loop3A_266 = arith.constant 48 : index
      %parallel_loop3A_267 = tpu.vector_load %arg6[%parallel_loop3A_264, %parallel_loop3A_265, %parallel_loop3A_266] {strides = array<i32>} : memref<4x128x128xf32, #tpu.memory_space<vmem>>, vector<16xf32>,
      %parallel_loop3A_268 = arith.constant 1 : i32
      %parallel_loop3A_269 = arith.index_cast %parallel_loop3A_268 : i32 to index
      %parallel_loop3A_270 = arith.index_cast %parallel_loop3A_247 : i32 to index
      %parallel_loop3A_271 = arith.constant 64 : index
      %parallel_loop3A_272 = tpu.vector_load %arg6[%parallel_loop3A_269, %parallel_loop3A_270, %parallel_loop3A_271] {strides = array<i32>} : memref<4x128x128xf32, #tpu.memory_space<vmem>>, vector<16xf32>,
      %parallel_loop3A_273 = arith.constant 1 : i32
      %parallel_loop3A_274 = arith.index_cast %parallel_loop3A_273 : i32 to index
      %parallel_loop3A_275 = arith.index_cast %parallel_loop3A_247 : i32 to index
      %parallel_loop3A_276 = arith.constant 80 : index
      %parallel_loop3A_277 = tpu.vector_load %arg6[%parallel_loop3A_274, %parallel_loop3A_275, %parallel_loop3A_276] {strides = array<i32>} : memref<4x128x128xf32, #tpu.memory_space<vmem>>, vector<16xf32>,
      %parallel_loop3A_278 = arith.constant 1 : i32
      %parallel_loop3A_279 = arith.index_cast %parallel_loop3A_278 : i32 to index
      %parallel_loop3A_280 = arith.index_cast %parallel_loop3A_247 : i32 to index
      %parallel_loop3A_281 = arith.constant 96 : index
      %parallel_loop3A_282 = tpu.vector_load %arg6[%parallel_loop3A_279, %parallel_loop3A_280, %parallel_loop3A_281] {strides = array<i32>} : memref<4x128x128xf32, #tpu.memory_space<vmem>>, vector<16xf32>,
      %parallel_loop3A_283 = arith.constant 1 : i32
      %parallel_loop3A_284 = arith.index_cast %parallel_loop3A_283 : i32 to index
      %parallel_loop3A_285 = arith.index_cast %parallel_loop3A_247 : i32 to index
      %parallel_loop3A_286 = arith.constant 112 : index
      %parallel_loop3A_287 = tpu.vector_load %arg6[%parallel_loop3A_284, %parallel_loop3A_285, %parallel_loop3A_286] {strides = array<i32>} : memref<4x128x128xf32, #tpu.memory_space<vmem>>, vector<16xf32>,
      %parallel_loop3A_288 = arith.mulf %parallel_loop3A_252, %parallel_loop3A_252 : vector<16xf32>
      %parallel_loop3A_289 = arith.mulf %parallel_loop3A_257, %parallel_loop3A_257 : vector<16xf32>
      %parallel_loop3A_290 = arith.mulf %parallel_loop3A_262, %parallel_loop3A_262 : vector<16xf32>
      %parallel_loop3A_291 = arith.mulf %parallel_loop3A_267, %parallel_loop3A_267 : vector<16xf32>
      %parallel_loop3A_292 = arith.mulf %parallel_loop3A_272, %parallel_loop3A_272 : vector<16xf32>
      %parallel_loop3A_293 = arith.mulf %parallel_loop3A_277, %parallel_loop3A_277 : vector<16xf32>
      %parallel_loop3A_294 = arith.mulf %parallel_loop3A_282, %parallel_loop3A_282 : vector<16xf32>
      %parallel_loop3A_295 = arith.mulf %parallel_loop3A_287, %parallel_loop3A_287 : vector<16xf32>
      %parallel_loop3A_296 = arith.addf %parallel_loop3A_288, %parallel_loop3A_289 : vector<16xf32>
      %parallel_loop3A_297 = arith.addf %parallel_loop3A_290, %parallel_loop3A_291 : vector<16xf32>
      %parallel_loop3A_298 = arith.addf %parallel_loop3A_292, %parallel_loop3A_293 : vector<16xf32>
      %parallel_loop3A_299 = arith.addf %parallel_loop3A_294, %parallel_loop3A_295 : vector<16xf32>
      %parallel_loop3A_300 = arith.addf %parallel_loop3A_296, %parallel_loop3A_297 : vector<16xf32>
      %parallel_loop3A_301 = arith.addf %parallel_loop3A_298, %parallel_loop3A_299 : vector<16xf32>
      %parallel_loop3A_302 = arith.addf %parallel_loop3A_300, %parallel_loop3A_301 : vector<16xf32>
      %parallel_loop3A_303 = vector.shape_cast %broadcast_in_dim3A : vector<16x1xi32> to vector<16xi32>
      %parallel_loop3A_304 = tpu.dynamic_gather %parallel_loop3A_302[%parallel_loop3A_303] in [0] : vector<16xf32>, vector<16xi32> -> vector<16xf32>
      %parallel_loop3A_305 = arith.addf %parallel_loop3A_302, %parallel_loop3A_304 : vector<16xf32>
      %parallel_loop3A_306 = vector.shape_cast %broadcast_in_dim3A_62 : vector<16x1xi32> to vector<16xi32>
      %parallel_loop3A_307 = tpu.dynamic_gather %parallel_loop3A_305[%parallel_loop3A_306] in [0] : vector<16xf32>, vector<16xi32> -> vector<16xf32>
      %parallel_loop3A_308 = arith.addf %parallel_loop3A_305, %parallel_loop3A_307 : vector<16xf32>
      %parallel_loop3A_309 = vector.shape_cast %broadcast_in_dim3A_69 : vector<16x1xi32> to vector<16xi32>
      %parallel_loop3A_310 = tpu.dynamic_gather %parallel_loop3A_308[%parallel_loop3A_309] in [0] : vector<16xf32>, vector<16xi32> -> vector<16xf32>
      %parallel_loop3A_311 = arith.addf %parallel_loop3A_308, %parallel_loop3A_310 : vector<16xf32>
      %parallel_loop3A_312 = vector.shape_cast %broadcast_in_dim3A_76 : vector<16x1xi32> to vector<16xi32>
      %parallel_loop3A_313 = tpu.dynamic_gather %parallel_loop3A_311[%parallel_loop3A_312] in [0] : vector<16xf32>, vector<16xi32> -> vector<16xf32>
      %parallel_loop3A_314 = arith.addf %parallel_loop3A_311, %parallel_loop3A_313 : vector<16xf32>
      %parallel_loop3A_315 = arith.constant 1.000000e-24 : f32
      %parallel_loop3A_316 = vector.broadcast %parallel_loop3A_315 : f32 to vector<16xf32>
      %parallel_loop3A_317 = arith.maximumf %parallel_loop3A_314, %parallel_loop3A_316 : vector<16xf32>
      %parallel_loop3A_318 = vector.bitcast %parallel_loop3A_317 : vector<16xf32> to vector<16xi32>
      %parallel_loop3A_319 = arith.constant 1 : i32
      %parallel_loop3A_320 = vector.broadcast %parallel_loop3A_319 : i32 to vector<16xi32>
      %parallel_loop3A_321 = arith.shrsi %parallel_loop3A_318, %parallel_loop3A_320 : vector<16xi32>
      %parallel_loop3A_322 = arith.constant 1597463007 : i32
      %parallel_loop3A_323 = vector.broadcast %parallel_loop3A_322 : i32 to vector<16xi32>
      %parallel_loop3A_324 = arith.subi %parallel_loop3A_323, %parallel_loop3A_321 : vector<16xi32>
      %parallel_loop3A_325 = vector.bitcast %parallel_loop3A_324 : vector<16xi32> to vector<16xf32>
      %parallel_loop3A_326 = arith.constant 5.000000e-01 : f32
      %parallel_loop3A_327 = vector.broadcast %parallel_loop3A_326 : f32 to vector<16xf32>
      %parallel_loop3A_328 = arith.mulf %parallel_loop3A_317, %parallel_loop3A_327 : vector<16xf32>
      %parallel_loop3A_329 = arith.mulf %parallel_loop3A_328, %parallel_loop3A_325 : vector<16xf32>
      %parallel_loop3A_330 = arith.mulf %parallel_loop3A_329, %parallel_loop3A_325 : vector<16xf32>
      %parallel_loop3A_331 = arith.constant 1.500000e+00 : f32
      %parallel_loop3A_332 = vector.broadcast %parallel_loop3A_331 : f32 to vector<16xf32>
      %parallel_loop3A_333 = arith.subf %parallel_loop3A_332, %parallel_loop3A_330 : vector<16xf32>
      %parallel_loop3A_334 = arith.mulf %parallel_loop3A_325, %parallel_loop3A_333 : vector<16xf32>
      %parallel_loop3A_335 = arith.mulf %parallel_loop3A_252, %parallel_loop3A_334 : vector<16xf32>
      %parallel_loop3A_336 = arith.constant 1 : i32
      %parallel_loop3A_337 = arith.index_cast %parallel_loop3A_336 : i32 to index
      %parallel_loop3A_338 = arith.index_cast %parallel_loop3A_247 : i32 to index
      %parallel_loop3A_339 = arith.constant 0 : index
      %parallel_loop3A_340 = tpu.vector_load %arg6[%parallel_loop3A_337, %parallel_loop3A_338, %parallel_loop3A_339] {strides = array<i32>} : memref<4x128x128xf32, #tpu.memory_space<vmem>>, vector<16xf32>,
      tpu.vector_store %arg6[%parallel_loop3A_337, %parallel_loop3A_338, %parallel_loop3A_339], %parallel_loop3A_335 {strides = array<i32>} : memref<4x128x128xf32, #tpu.memory_space<vmem>>, vector<16xf32>,
      %parallel_loop3A_341 = arith.mulf %parallel_loop3A_257, %parallel_loop3A_334 : vector<16xf32>
      %parallel_loop3A_342 = arith.constant 1 : i32
      %parallel_loop3A_343 = arith.index_cast %parallel_loop3A_342 : i32 to index
      %parallel_loop3A_344 = arith.index_cast %parallel_loop3A_247 : i32 to index
      %parallel_loop3A_345 = arith.constant 16 : index
      %parallel_loop3A_346 = tpu.vector_load %arg6[%parallel_loop3A_343, %parallel_loop3A_344, %parallel_loop3A_345] {strides = array<i32>} : memref<4x128x128xf32, #tpu.memory_space<vmem>>, vector<16xf32>,
      tpu.vector_store %arg6[%parallel_loop3A_343, %parallel_loop3A_344, %parallel_loop3A_345], %parallel_loop3A_341 {strides = array<i32>} : memref<4x128x128xf32, #tpu.memory_space<vmem>>, vector<16xf32>,
      %parallel_loop3A_347 = arith.mulf %parallel_loop3A_262, %parallel_loop3A_334 : vector<16xf32>
      %parallel_loop3A_348 = arith.constant 1 : i32
      %parallel_loop3A_349 = arith.index_cast %parallel_loop3A_348 : i32 to index
      %parallel_loop3A_350 = arith.index_cast %parallel_loop3A_247 : i32 to index
      %parallel_loop3A_351 = arith.constant 32 : index
      %parallel_loop3A_352 = tpu.vector_load %arg6[%parallel_loop3A_349, %parallel_loop3A_350, %parallel_loop3A_351] {strides = array<i32>} : memref<4x128x128xf32, #tpu.memory_space<vmem>>, vector<16xf32>,
      tpu.vector_store %arg6[%parallel_loop3A_349, %parallel_loop3A_350, %parallel_loop3A_351], %parallel_loop3A_347 {strides = array<i32>} : memref<4x128x128xf32, #tpu.memory_space<vmem>>, vector<16xf32>,
      %parallel_loop3A_353 = arith.mulf %parallel_loop3A_267, %parallel_loop3A_334 : vector<16xf32>
      %parallel_loop3A_354 = arith.constant 1 : i32
      %parallel_loop3A_355 = arith.index_cast %parallel_loop3A_354 : i32 to index
      %parallel_loop3A_356 = arith.index_cast %parallel_loop3A_247 : i32 to index
      %parallel_loop3A_357 = arith.constant 48 : index
      %parallel_loop3A_358 = tpu.vector_load %arg6[%parallel_loop3A_355, %parallel_loop3A_356, %parallel_loop3A_357] {strides = array<i32>} : memref<4x128x128xf32, #tpu.memory_space<vmem>>, vector<16xf32>,
      tpu.vector_store %arg6[%parallel_loop3A_355, %parallel_loop3A_356, %parallel_loop3A_357], %parallel_loop3A_353 {strides = array<i32>} : memref<4x128x128xf32, #tpu.memory_space<vmem>>, vector<16xf32>,
      %parallel_loop3A_359 = arith.mulf %parallel_loop3A_272, %parallel_loop3A_334 : vector<16xf32>
      %parallel_loop3A_360 = arith.constant 1 : i32
      %parallel_loop3A_361 = arith.index_cast %parallel_loop3A_360 : i32 to index
      %parallel_loop3A_362 = arith.index_cast %parallel_loop3A_247 : i32 to index
      %parallel_loop3A_363 = arith.constant 64 : index
      %parallel_loop3A_364 = tpu.vector_load %arg6[%parallel_loop3A_361, %parallel_loop3A_362, %parallel_loop3A_363] {strides = array<i32>} : memref<4x128x128xf32, #tpu.memory_space<vmem>>, vector<16xf32>,
      tpu.vector_store %arg6[%parallel_loop3A_361, %parallel_loop3A_362, %parallel_loop3A_363], %parallel_loop3A_359 {strides = array<i32>} : memref<4x128x128xf32, #tpu.memory_space<vmem>>, vector<16xf32>,
      %parallel_loop3A_365 = arith.mulf %parallel_loop3A_277, %parallel_loop3A_334 : vector<16xf32>
      %parallel_loop3A_366 = arith.constant 1 : i32
      %parallel_loop3A_367 = arith.index_cast %parallel_loop3A_366 : i32 to index
      %parallel_loop3A_368 = arith.index_cast %parallel_loop3A_247 : i32 to index
      %parallel_loop3A_369 = arith.constant 80 : index
      %parallel_loop3A_370 = tpu.vector_load %arg6[%parallel_loop3A_367, %parallel_loop3A_368, %parallel_loop3A_369] {strides = array<i32>} : memref<4x128x128xf32, #tpu.memory_space<vmem>>, vector<16xf32>,
      tpu.vector_store %arg6[%parallel_loop3A_367, %parallel_loop3A_368, %parallel_loop3A_369], %parallel_loop3A_365 {strides = array<i32>} : memref<4x128x128xf32, #tpu.memory_space<vmem>>, vector<16xf32>,
      %parallel_loop3A_371 = arith.mulf %parallel_loop3A_282, %parallel_loop3A_334 : vector<16xf32>
      %parallel_loop3A_372 = arith.constant 1 : i32
      %parallel_loop3A_373 = arith.index_cast %parallel_loop3A_372 : i32 to index
      %parallel_loop3A_374 = arith.index_cast %parallel_loop3A_247 : i32 to index
      %parallel_loop3A_375 = arith.constant 96 : index
      %parallel_loop3A_376 = tpu.vector_load %arg6[%parallel_loop3A_373, %parallel_loop3A_374, %parallel_loop3A_375] {strides = array<i32>} : memref<4x128x128xf32, #tpu.memory_space<vmem>>, vector<16xf32>,
      tpu.vector_store %arg6[%parallel_loop3A_373, %parallel_loop3A_374, %parallel_loop3A_375], %parallel_loop3A_371 {strides = array<i32>} : memref<4x128x128xf32, #tpu.memory_space<vmem>>, vector<16xf32>,
      %parallel_loop3A_377 = arith.mulf %parallel_loop3A_287, %parallel_loop3A_334 : vector<16xf32>
      %parallel_loop3A_378 = arith.constant 1 : i32
      %parallel_loop3A_379 = arith.index_cast %parallel_loop3A_378 : i32 to index
      %parallel_loop3A_380 = arith.index_cast %parallel_loop3A_247 : i32 to index
      %parallel_loop3A_381 = arith.constant 112 : index
      %parallel_loop3A_382 = tpu.vector_load %arg6[%parallel_loop3A_379, %parallel_loop3A_380, %parallel_loop3A_381] {strides = array<i32>} : memref<4x128x128xf32, #tpu.memory_space<vmem>>, vector<16xf32>,
      tpu.vector_store %arg6[%parallel_loop3A_379, %parallel_loop3A_380, %parallel_loop3A_381], %parallel_loop3A_377 {strides = array<i32>} : memref<4x128x128xf32, #tpu.memory_space<vmem>>, vector<16xf32>,
    } {sc.loop_unroll_factor = 4 : i64, sc.parallel_access}
    %add3A_120 = arith.constant 128 : i32
    %add3A_121 = arith.addi %mul3A_2, %add3A_120 : i32
    %dma_start3A_122 = arith.constant 1 : i32
    %dma_start3A_123 = arith.constant 0 : i32
    %dma_start3A_124 = arith.constant 0 : i32
    %dma_start3A_125 = tpu.memref_slice %arg6[%dma_start3A_122, %dma_start3A_123, %dma_start3A_124] : memref<4x128x128xf32, #tpu.memory_space<vmem>> -> memref<1x128x128xf32, #tpu.memory_space<vmem>>
    %dma_start3A_126 = tpu.memref_squeeze %dma_start3A_125 : memref<1x128x128xf32, #tpu.memory_space<vmem>> -> memref<128x128xf32, #tpu.memory_space<vmem>>
    %dma_start3A_127 = arith.constant 0 : i32
    %dma_start3A_128 = tpu.memref_slice %arg4[%add3A_121, %dma_start3A_127] : memref<16384x128xf32, #tpu.memory_space<hbm>> -> memref<128x128xf32, #tpu.memory_space<hbm>>
    %dma_start3A_129 = arith.constant 0 : i32
    %dma_start3A_130 = tpu.memref_slice %arg4[%add3A_121, %dma_start3A_129] : memref<16384x128xf32, #tpu.memory_space<hbm>> -> memref<128x128xf32, #tpu.memory_space<hbm>>
    %dma_start3A_131 = arith.constant 0 : i32
    %dma_start3A_132 = arith.constant 0 : i32
    %dma_start3A_133 = tpu.memref_slice %arg6[%dma_start3A_122, %dma_start3A_131, %dma_start3A_132] : memref<4x128x128xf32, #tpu.memory_space<vmem>> -> memref<1x128x128xf32, #tpu.memory_space<vmem>>
    %dma_start3A_134 = tpu.memref_squeeze %dma_start3A_133 : memref<1x128x128xf32, #tpu.memory_space<vmem>> -> memref<128x128xf32, #tpu.memory_space<vmem>>
    tpu.enqueue_dma source(%dma_start3A_134 : memref<128x128xf32, #tpu.memory_space<vmem>>) target(%dma_start3A_130 : memref<128x128xf32, #tpu.memory_space<hbm>>) target_semaphore(%arg11 : memref<!tpu.dma_semaphore, #tpu.memory_space<semaphore_mem>>)
    %dma_wait3A_135 = arith.constant 2 : i32
    %dma_wait3A_136 = arith.constant 2 : i32
    %dma_wait3A_137 = arith.constant 0 : i32
    %dma_wait3A_138 = arith.constant 0 : i32
    %dma_wait3A_139 = tpu.memref_slice %arg6[%dma_wait3A_136, %dma_wait3A_137, %dma_wait3A_138] : memref<4x128x128xf32, #tpu.memory_space<vmem>> -> memref<1x128x128xf32, #tpu.memory_space<vmem>>
    %dma_wait3A_140 = tpu.memref_squeeze %dma_wait3A_139 : memref<1x128x128xf32, #tpu.memory_space<vmem>> -> memref<128x128xf32, #tpu.memory_space<vmem>>
    %dma_wait3A_141 = arith.constant 0 : i32
    %dma_wait3A_142 = tpu.memref_slice %arg5[%dma_wait3A_135, %dma_wait3A_141] : memref<4x128xi32, #tpu.memory_space<vmem>> -> memref<1x128xi32, #tpu.memory_space<vmem>>
    %dma_wait3A_143 = tpu.memref_squeeze %dma_wait3A_142 : memref<1x128xi32, #tpu.memory_space<vmem>> -> memref<128xi32, #tpu.memory_space<vmem>>
    %dma_wait3A_144 = arith.constant 0 : i32
    %dma_wait3A_145 = arith.constant 0 : i32
    %dma_wait3A_146 = tpu.memref_slice %arg3[%dma_wait3A_144, %dma_wait3A_145] : memref<1000000x128xf32, #tpu.memory_space<hbm>> -> memref<1000000x128xf32, #tpu.memory_space<hbm>>
    tpu.wait_indirect_dma semaphore(%arg9 : memref<!tpu.dma_semaphore, #tpu.memory_space<semaphore_mem>>) src(%dma_wait3A_146 : memref<1000000x128xf32, #tpu.memory_space<hbm>>) dst(%dma_wait3A_140 : memref<128x128xf32, #tpu.memory_space<vmem>>)
    %parallel_loop3A_147 = arith.constant 0 : i32
    %parallel_loop3A_148 = arith.constant 128 : i32
    %parallel_loop3A_149 = arith.constant 1 : i32
    scf.for %parallel_loop3A_247 = %parallel_loop3A_147 to %parallel_loop3A_148 step %parallel_loop3A_149  : i32 {
      %parallel_loop3A_248 = arith.constant 2 : i32
      %parallel_loop3A_249 = arith.index_cast %parallel_loop3A_248 : i32 to index
      %parallel_loop3A_250 = arith.index_cast %parallel_loop3A_247 : i32 to index
      %parallel_loop3A_251 = arith.constant 0 : index
      %parallel_loop3A_252 = tpu.vector_load %arg6[%parallel_loop3A_249, %parallel_loop3A_250, %parallel_loop3A_251] {strides = array<i32>} : memref<4x128x128xf32, #tpu.memory_space<vmem>>, vector<16xf32>,
      %parallel_loop3A_253 = arith.constant 2 : i32
      %parallel_loop3A_254 = arith.index_cast %parallel_loop3A_253 : i32 to index
      %parallel_loop3A_255 = arith.index_cast %parallel_loop3A_247 : i32 to index
      %parallel_loop3A_256 = arith.constant 16 : index
      %parallel_loop3A_257 = tpu.vector_load %arg6[%parallel_loop3A_254, %parallel_loop3A_255, %parallel_loop3A_256] {strides = array<i32>} : memref<4x128x128xf32, #tpu.memory_space<vmem>>, vector<16xf32>,
      %parallel_loop3A_258 = arith.constant 2 : i32
      %parallel_loop3A_259 = arith.index_cast %parallel_loop3A_258 : i32 to index
      %parallel_loop3A_260 = arith.index_cast %parallel_loop3A_247 : i32 to index
      %parallel_loop3A_261 = arith.constant 32 : index
      %parallel_loop3A_262 = tpu.vector_load %arg6[%parallel_loop3A_259, %parallel_loop3A_260, %parallel_loop3A_261] {strides = array<i32>} : memref<4x128x128xf32, #tpu.memory_space<vmem>>, vector<16xf32>,
      %parallel_loop3A_263 = arith.constant 2 : i32
      %parallel_loop3A_264 = arith.index_cast %parallel_loop3A_263 : i32 to index
      %parallel_loop3A_265 = arith.index_cast %parallel_loop3A_247 : i32 to index
      %parallel_loop3A_266 = arith.constant 48 : index
      %parallel_loop3A_267 = tpu.vector_load %arg6[%parallel_loop3A_264, %parallel_loop3A_265, %parallel_loop3A_266] {strides = array<i32>} : memref<4x128x128xf32, #tpu.memory_space<vmem>>, vector<16xf32>,
      %parallel_loop3A_268 = arith.constant 2 : i32
      %parallel_loop3A_269 = arith.index_cast %parallel_loop3A_268 : i32 to index
      %parallel_loop3A_270 = arith.index_cast %parallel_loop3A_247 : i32 to index
      %parallel_loop3A_271 = arith.constant 64 : index
      %parallel_loop3A_272 = tpu.vector_load %arg6[%parallel_loop3A_269, %parallel_loop3A_270, %parallel_loop3A_271] {strides = array<i32>} : memref<4x128x128xf32, #tpu.memory_space<vmem>>, vector<16xf32>,
      %parallel_loop3A_273 = arith.constant 2 : i32
      %parallel_loop3A_274 = arith.index_cast %parallel_loop3A_273 : i32 to index
      %parallel_loop3A_275 = arith.index_cast %parallel_loop3A_247 : i32 to index
      %parallel_loop3A_276 = arith.constant 80 : index
      %parallel_loop3A_277 = tpu.vector_load %arg6[%parallel_loop3A_274, %parallel_loop3A_275, %parallel_loop3A_276] {strides = array<i32>} : memref<4x128x128xf32, #tpu.memory_space<vmem>>, vector<16xf32>,
      %parallel_loop3A_278 = arith.constant 2 : i32
      %parallel_loop3A_279 = arith.index_cast %parallel_loop3A_278 : i32 to index
      %parallel_loop3A_280 = arith.index_cast %parallel_loop3A_247 : i32 to index
      %parallel_loop3A_281 = arith.constant 96 : index
      %parallel_loop3A_282 = tpu.vector_load %arg6[%parallel_loop3A_279, %parallel_loop3A_280, %parallel_loop3A_281] {strides = array<i32>} : memref<4x128x128xf32, #tpu.memory_space<vmem>>, vector<16xf32>,
      %parallel_loop3A_283 = arith.constant 2 : i32
      %parallel_loop3A_284 = arith.index_cast %parallel_loop3A_283 : i32 to index
      %parallel_loop3A_285 = arith.index_cast %parallel_loop3A_247 : i32 to index
      %parallel_loop3A_286 = arith.constant 112 : index
      %parallel_loop3A_287 = tpu.vector_load %arg6[%parallel_loop3A_284, %parallel_loop3A_285, %parallel_loop3A_286] {strides = array<i32>} : memref<4x128x128xf32, #tpu.memory_space<vmem>>, vector<16xf32>,
      %parallel_loop3A_288 = arith.mulf %parallel_loop3A_252, %parallel_loop3A_252 : vector<16xf32>
      %parallel_loop3A_289 = arith.mulf %parallel_loop3A_257, %parallel_loop3A_257 : vector<16xf32>
      %parallel_loop3A_290 = arith.mulf %parallel_loop3A_262, %parallel_loop3A_262 : vector<16xf32>
      %parallel_loop3A_291 = arith.mulf %parallel_loop3A_267, %parallel_loop3A_267 : vector<16xf32>
      %parallel_loop3A_292 = arith.mulf %parallel_loop3A_272, %parallel_loop3A_272 : vector<16xf32>
      %parallel_loop3A_293 = arith.mulf %parallel_loop3A_277, %parallel_loop3A_277 : vector<16xf32>
      %parallel_loop3A_294 = arith.mulf %parallel_loop3A_282, %parallel_loop3A_282 : vector<16xf32>
      %parallel_loop3A_295 = arith.mulf %parallel_loop3A_287, %parallel_loop3A_287 : vector<16xf32>
      %parallel_loop3A_296 = arith.addf %parallel_loop3A_288, %parallel_loop3A_289 : vector<16xf32>
      %parallel_loop3A_297 = arith.addf %parallel_loop3A_290, %parallel_loop3A_291 : vector<16xf32>
      %parallel_loop3A_298 = arith.addf %parallel_loop3A_292, %parallel_loop3A_293 : vector<16xf32>
      %parallel_loop3A_299 = arith.addf %parallel_loop3A_294, %parallel_loop3A_295 : vector<16xf32>
      %parallel_loop3A_300 = arith.addf %parallel_loop3A_296, %parallel_loop3A_297 : vector<16xf32>
      %parallel_loop3A_301 = arith.addf %parallel_loop3A_298, %parallel_loop3A_299 : vector<16xf32>
      %parallel_loop3A_302 = arith.addf %parallel_loop3A_300, %parallel_loop3A_301 : vector<16xf32>
      %parallel_loop3A_303 = vector.shape_cast %broadcast_in_dim3A : vector<16x1xi32> to vector<16xi32>
      %parallel_loop3A_304 = tpu.dynamic_gather %parallel_loop3A_302[%parallel_loop3A_303] in [0] : vector<16xf32>, vector<16xi32> -> vector<16xf32>
      %parallel_loop3A_305 = arith.addf %parallel_loop3A_302, %parallel_loop3A_304 : vector<16xf32>
      %parallel_loop3A_306 = vector.shape_cast %broadcast_in_dim3A_62 : vector<16x1xi32> to vector<16xi32>
      %parallel_loop3A_307 = tpu.dynamic_gather %parallel_loop3A_305[%parallel_loop3A_306] in [0] : vector<16xf32>, vector<16xi32> -> vector<16xf32>
      %parallel_loop3A_308 = arith.addf %parallel_loop3A_305, %parallel_loop3A_307 : vector<16xf32>
      %parallel_loop3A_309 = vector.shape_cast %broadcast_in_dim3A_69 : vector<16x1xi32> to vector<16xi32>
      %parallel_loop3A_310 = tpu.dynamic_gather %parallel_loop3A_308[%parallel_loop3A_309] in [0] : vector<16xf32>, vector<16xi32> -> vector<16xf32>
      %parallel_loop3A_311 = arith.addf %parallel_loop3A_308, %parallel_loop3A_310 : vector<16xf32>
      %parallel_loop3A_312 = vector.shape_cast %broadcast_in_dim3A_76 : vector<16x1xi32> to vector<16xi32>
      %parallel_loop3A_313 = tpu.dynamic_gather %parallel_loop3A_311[%parallel_loop3A_312] in [0] : vector<16xf32>, vector<16xi32> -> vector<16xf32>
      %parallel_loop3A_314 = arith.addf %parallel_loop3A_311, %parallel_loop3A_313 : vector<16xf32>
      %parallel_loop3A_315 = arith.constant 1.000000e-24 : f32
      %parallel_loop3A_316 = vector.broadcast %parallel_loop3A_315 : f32 to vector<16xf32>
      %parallel_loop3A_317 = arith.maximumf %parallel_loop3A_314, %parallel_loop3A_316 : vector<16xf32>
      %parallel_loop3A_318 = vector.bitcast %parallel_loop3A_317 : vector<16xf32> to vector<16xi32>
      %parallel_loop3A_319 = arith.constant 1 : i32
      %parallel_loop3A_320 = vector.broadcast %parallel_loop3A_319 : i32 to vector<16xi32>
      %parallel_loop3A_321 = arith.shrsi %parallel_loop3A_318, %parallel_loop3A_320 : vector<16xi32>
      %parallel_loop3A_322 = arith.constant 1597463007 : i32
      %parallel_loop3A_323 = vector.broadcast %parallel_loop3A_322 : i32 to vector<16xi32>
      %parallel_loop3A_324 = arith.subi %parallel_loop3A_323, %parallel_loop3A_321 : vector<16xi32>
      %parallel_loop3A_325 = vector.bitcast %parallel_loop3A_324 : vector<16xi32> to vector<16xf32>
      %parallel_loop3A_326 = arith.constant 5.000000e-01 : f32
      %parallel_loop3A_327 = vector.broadcast %parallel_loop3A_326 : f32 to vector<16xf32>
      %parallel_loop3A_328 = arith.mulf %parallel_loop3A_317, %parallel_loop3A_327 : vector<16xf32>
      %parallel_loop3A_329 = arith.mulf %parallel_loop3A_328, %parallel_loop3A_325 : vector<16xf32>
      %parallel_loop3A_330 = arith.mulf %parallel_loop3A_329, %parallel_loop3A_325 : vector<16xf32>
      %parallel_loop3A_331 = arith.constant 1.500000e+00 : f32
      %parallel_loop3A_332 = vector.broadcast %parallel_loop3A_331 : f32 to vector<16xf32>
      %parallel_loop3A_333 = arith.subf %parallel_loop3A_332, %parallel_loop3A_330 : vector<16xf32>
      %parallel_loop3A_334 = arith.mulf %parallel_loop3A_325, %parallel_loop3A_333 : vector<16xf32>
      %parallel_loop3A_335 = arith.mulf %parallel_loop3A_252, %parallel_loop3A_334 : vector<16xf32>
      %parallel_loop3A_336 = arith.constant 2 : i32
      %parallel_loop3A_337 = arith.index_cast %parallel_loop3A_336 : i32 to index
      %parallel_loop3A_338 = arith.index_cast %parallel_loop3A_247 : i32 to index
      %parallel_loop3A_339 = arith.constant 0 : index
      %parallel_loop3A_340 = tpu.vector_load %arg6[%parallel_loop3A_337, %parallel_loop3A_338, %parallel_loop3A_339] {strides = array<i32>} : memref<4x128x128xf32, #tpu.memory_space<vmem>>, vector<16xf32>,
      tpu.vector_store %arg6[%parallel_loop3A_337, %parallel_loop3A_338, %parallel_loop3A_339], %parallel_loop3A_335 {strides = array<i32>} : memref<4x128x128xf32, #tpu.memory_space<vmem>>, vector<16xf32>,
      %parallel_loop3A_341 = arith.mulf %parallel_loop3A_257, %parallel_loop3A_334 : vector<16xf32>
      %parallel_loop3A_342 = arith.constant 2 : i32
      %parallel_loop3A_343 = arith.index_cast %parallel_loop3A_342 : i32 to index
      %parallel_loop3A_344 = arith.index_cast %parallel_loop3A_247 : i32 to index
      %parallel_loop3A_345 = arith.constant 16 : index
      %parallel_loop3A_346 = tpu.vector_load %arg6[%parallel_loop3A_343, %parallel_loop3A_344, %parallel_loop3A_345] {strides = array<i32>} : memref<4x128x128xf32, #tpu.memory_space<vmem>>, vector<16xf32>,
      tpu.vector_store %arg6[%parallel_loop3A_343, %parallel_loop3A_344, %parallel_loop3A_345], %parallel_loop3A_341 {strides = array<i32>} : memref<4x128x128xf32, #tpu.memory_space<vmem>>, vector<16xf32>,
      %parallel_loop3A_347 = arith.mulf %parallel_loop3A_262, %parallel_loop3A_334 : vector<16xf32>
      %parallel_loop3A_348 = arith.constant 2 : i32
      %parallel_loop3A_349 = arith.index_cast %parallel_loop3A_348 : i32 to index
      %parallel_loop3A_350 = arith.index_cast %parallel_loop3A_247 : i32 to index
      %parallel_loop3A_351 = arith.constant 32 : index
      %parallel_loop3A_352 = tpu.vector_load %arg6[%parallel_loop3A_349, %parallel_loop3A_350, %parallel_loop3A_351] {strides = array<i32>} : memref<4x128x128xf32, #tpu.memory_space<vmem>>, vector<16xf32>,
      tpu.vector_store %arg6[%parallel_loop3A_349, %parallel_loop3A_350, %parallel_loop3A_351], %parallel_loop3A_347 {strides = array<i32>} : memref<4x128x128xf32, #tpu.memory_space<vmem>>, vector<16xf32>,
      %parallel_loop3A_353 = arith.mulf %parallel_loop3A_267, %parallel_loop3A_334 : vector<16xf32>
      %parallel_loop3A_354 = arith.constant 2 : i32
      %parallel_loop3A_355 = arith.index_cast %parallel_loop3A_354 : i32 to index
      %parallel_loop3A_356 = arith.index_cast %parallel_loop3A_247 : i32 to index
      %parallel_loop3A_357 = arith.constant 48 : index
      %parallel_loop3A_358 = tpu.vector_load %arg6[%parallel_loop3A_355, %parallel_loop3A_356, %parallel_loop3A_357] {strides = array<i32>} : memref<4x128x128xf32, #tpu.memory_space<vmem>>, vector<16xf32>,
      tpu.vector_store %arg6[%parallel_loop3A_355, %parallel_loop3A_356, %parallel_loop3A_357], %parallel_loop3A_353 {strides = array<i32>} : memref<4x128x128xf32, #tpu.memory_space<vmem>>, vector<16xf32>,
      %parallel_loop3A_359 = arith.mulf %parallel_loop3A_272, %parallel_loop3A_334 : vector<16xf32>
      %parallel_loop3A_360 = arith.constant 2 : i32
      %parallel_loop3A_361 = arith.index_cast %parallel_loop3A_360 : i32 to index
      %parallel_loop3A_362 = arith.index_cast %parallel_loop3A_247 : i32 to index
      %parallel_loop3A_363 = arith.constant 64 : index
      %parallel_loop3A_364 = tpu.vector_load %arg6[%parallel_loop3A_361, %parallel_loop3A_362, %parallel_loop3A_363] {strides = array<i32>} : memref<4x128x128xf32, #tpu.memory_space<vmem>>, vector<16xf32>,
      tpu.vector_store %arg6[%parallel_loop3A_361, %parallel_loop3A_362, %parallel_loop3A_363], %parallel_loop3A_359 {strides = array<i32>} : memref<4x128x128xf32, #tpu.memory_space<vmem>>, vector<16xf32>,
      %parallel_loop3A_365 = arith.mulf %parallel_loop3A_277, %parallel_loop3A_334 : vector<16xf32>
      %parallel_loop3A_366 = arith.constant 2 : i32
      %parallel_loop3A_367 = arith.index_cast %parallel_loop3A_366 : i32 to index
      %parallel_loop3A_368 = arith.index_cast %parallel_loop3A_247 : i32 to index
      %parallel_loop3A_369 = arith.constant 80 : index
      %parallel_loop3A_370 = tpu.vector_load %arg6[%parallel_loop3A_367, %parallel_loop3A_368, %parallel_loop3A_369] {strides = array<i32>} : memref<4x128x128xf32, #tpu.memory_space<vmem>>, vector<16xf32>,
      tpu.vector_store %arg6[%parallel_loop3A_367, %parallel_loop3A_368, %parallel_loop3A_369], %parallel_loop3A_365 {strides = array<i32>} : memref<4x128x128xf32, #tpu.memory_space<vmem>>, vector<16xf32>,
      %parallel_loop3A_371 = arith.mulf %parallel_loop3A_282, %parallel_loop3A_334 : vector<16xf32>
      %parallel_loop3A_372 = arith.constant 2 : i32
      %parallel_loop3A_373 = arith.index_cast %parallel_loop3A_372 : i32 to index
      %parallel_loop3A_374 = arith.index_cast %parallel_loop3A_247 : i32 to index
      %parallel_loop3A_375 = arith.constant 96 : index
      %parallel_loop3A_376 = tpu.vector_load %arg6[%parallel_loop3A_373, %parallel_loop3A_374, %parallel_loop3A_375] {strides = array<i32>} : memref<4x128x128xf32, #tpu.memory_space<vmem>>, vector<16xf32>,
      tpu.vector_store %arg6[%parallel_loop3A_373, %parallel_loop3A_374, %parallel_loop3A_375], %parallel_loop3A_371 {strides = array<i32>} : memref<4x128x128xf32, #tpu.memory_space<vmem>>, vector<16xf32>,
      %parallel_loop3A_377 = arith.mulf %parallel_loop3A_287, %parallel_loop3A_334 : vector<16xf32>
      %parallel_loop3A_378 = arith.constant 2 : i32
      %parallel_loop3A_379 = arith.index_cast %parallel_loop3A_378 : i32 to index
      %parallel_loop3A_380 = arith.index_cast %parallel_loop3A_247 : i32 to index
      %parallel_loop3A_381 = arith.constant 112 : index
      %parallel_loop3A_382 = tpu.vector_load %arg6[%parallel_loop3A_379, %parallel_loop3A_380, %parallel_loop3A_381] {strides = array<i32>} : memref<4x128x128xf32, #tpu.memory_space<vmem>>, vector<16xf32>,
      tpu.vector_store %arg6[%parallel_loop3A_379, %parallel_loop3A_380, %parallel_loop3A_381], %parallel_loop3A_377 {strides = array<i32>} : memref<4x128x128xf32, #tpu.memory_space<vmem>>, vector<16xf32>,
    } {sc.loop_unroll_factor = 4 : i64, sc.parallel_access}
    %add3A_150 = arith.constant 256 : i32
    %add3A_151 = arith.addi %mul3A_2, %add3A_150 : i32
    %dma_start3A_152 = arith.constant 2 : i32
    %dma_start3A_153 = arith.constant 0 : i32
    %dma_start3A_154 = arith.constant 0 : i32
    %dma_start3A_155 = tpu.memref_slice %arg6[%dma_start3A_152, %dma_start3A_153, %dma_start3A_154] : memref<4x128x128xf32, #tpu.memory_space<vmem>> -> memref<1x128x128xf32, #tpu.memory_space<vmem>>
    %dma_start3A_156 = tpu.memref_squeeze %dma_start3A_155 : memref<1x128x128xf32, #tpu.memory_space<vmem>> -> memref<128x128xf32, #tpu.memory_space<vmem>>
    %dma_start3A_157 = arith.constant 0 : i32
    %dma_start3A_158 = tpu.memref_slice %arg4[%add3A_151, %dma_start3A_157] : memref<16384x128xf32, #tpu.memory_space<hbm>> -> memref<128x128xf32, #tpu.memory_space<hbm>>
    %dma_start3A_159 = arith.constant 0 : i32
    %dma_start3A_160 = tpu.memref_slice %arg4[%add3A_151, %dma_start3A_159] : memref<16384x128xf32, #tpu.memory_space<hbm>> -> memref<128x128xf32, #tpu.memory_space<hbm>>
    %dma_start3A_161 = arith.constant 0 : i32
    %dma_start3A_162 = arith.constant 0 : i32
    %dma_start3A_163 = tpu.memref_slice %arg6[%dma_start3A_152, %dma_start3A_161, %dma_start3A_162] : memref<4x128x128xf32, #tpu.memory_space<vmem>> -> memref<1x128x128xf32, #tpu.memory_space<vmem>>
    %dma_start3A_164 = tpu.memref_squeeze %dma_start3A_163 : memref<1x128x128xf32, #tpu.memory_space<vmem>> -> memref<128x128xf32, #tpu.memory_space<vmem>>
    tpu.enqueue_dma source(%dma_start3A_164 : memref<128x128xf32, #tpu.memory_space<vmem>>) target(%dma_start3A_160 : memref<128x128xf32, #tpu.memory_space<hbm>>) target_semaphore(%arg11 : memref<!tpu.dma_semaphore, #tpu.memory_space<semaphore_mem>>)
    %dma_wait3A_165 = arith.constant 3 : i32
    %dma_wait3A_166 = arith.constant 3 : i32
    %dma_wait3A_167 = arith.constant 0 : i32
    %dma_wait3A_168 = arith.constant 0 : i32
    %dma_wait3A_169 = tpu.memref_slice %arg6[%dma_wait3A_166, %dma_wait3A_167, %dma_wait3A_168] : memref<4x128x128xf32, #tpu.memory_space<vmem>> -> memref<1x128x128xf32, #tpu.memory_space<vmem>>
    %dma_wait3A_170 = tpu.memref_squeeze %dma_wait3A_169 : memref<1x128x128xf32, #tpu.memory_space<vmem>> -> memref<128x128xf32, #tpu.memory_space<vmem>>
    %dma_wait3A_171 = arith.constant 0 : i32
    %dma_wait3A_172 = tpu.memref_slice %arg5[%dma_wait3A_165, %dma_wait3A_171] : memref<4x128xi32, #tpu.memory_space<vmem>> -> memref<1x128xi32, #tpu.memory_space<vmem>>
    %dma_wait3A_173 = tpu.memref_squeeze %dma_wait3A_172 : memref<1x128xi32, #tpu.memory_space<vmem>> -> memref<128xi32, #tpu.memory_space<vmem>>
    %dma_wait3A_174 = arith.constant 0 : i32
    %dma_wait3A_175 = arith.constant 0 : i32
    %dma_wait3A_176 = tpu.memref_slice %arg3[%dma_wait3A_174, %dma_wait3A_175] : memref<1000000x128xf32, #tpu.memory_space<hbm>> -> memref<1000000x128xf32, #tpu.memory_space<hbm>>
    tpu.wait_indirect_dma semaphore(%arg10 : memref<!tpu.dma_semaphore, #tpu.memory_space<semaphore_mem>>) src(%dma_wait3A_176 : memref<1000000x128xf32, #tpu.memory_space<hbm>>) dst(%dma_wait3A_170 : memref<128x128xf32, #tpu.memory_space<vmem>>)
    %parallel_loop3A_177 = arith.constant 0 : i32
    %parallel_loop3A_178 = arith.constant 128 : i32
    %parallel_loop3A_179 = arith.constant 1 : i32
    scf.for %parallel_loop3A_247 = %parallel_loop3A_177 to %parallel_loop3A_178 step %parallel_loop3A_179  : i32 {
      %parallel_loop3A_248 = arith.constant 3 : i32
      %parallel_loop3A_249 = arith.index_cast %parallel_loop3A_248 : i32 to index
      %parallel_loop3A_250 = arith.index_cast %parallel_loop3A_247 : i32 to index
      %parallel_loop3A_251 = arith.constant 0 : index
      %parallel_loop3A_252 = tpu.vector_load %arg6[%parallel_loop3A_249, %parallel_loop3A_250, %parallel_loop3A_251] {strides = array<i32>} : memref<4x128x128xf32, #tpu.memory_space<vmem>>, vector<16xf32>,
      %parallel_loop3A_253 = arith.constant 3 : i32
      %parallel_loop3A_254 = arith.index_cast %parallel_loop3A_253 : i32 to index
      %parallel_loop3A_255 = arith.index_cast %parallel_loop3A_247 : i32 to index
      %parallel_loop3A_256 = arith.constant 16 : index
      %parallel_loop3A_257 = tpu.vector_load %arg6[%parallel_loop3A_254, %parallel_loop3A_255, %parallel_loop3A_256] {strides = array<i32>} : memref<4x128x128xf32, #tpu.memory_space<vmem>>, vector<16xf32>,
      %parallel_loop3A_258 = arith.constant 3 : i32
      %parallel_loop3A_259 = arith.index_cast %parallel_loop3A_258 : i32 to index
      %parallel_loop3A_260 = arith.index_cast %parallel_loop3A_247 : i32 to index
      %parallel_loop3A_261 = arith.constant 32 : index
      %parallel_loop3A_262 = tpu.vector_load %arg6[%parallel_loop3A_259, %parallel_loop3A_260, %parallel_loop3A_261] {strides = array<i32>} : memref<4x128x128xf32, #tpu.memory_space<vmem>>, vector<16xf32>,
      %parallel_loop3A_263 = arith.constant 3 : i32
      %parallel_loop3A_264 = arith.index_cast %parallel_loop3A_263 : i32 to index
      %parallel_loop3A_265 = arith.index_cast %parallel_loop3A_247 : i32 to index
      %parallel_loop3A_266 = arith.constant 48 : index
      %parallel_loop3A_267 = tpu.vector_load %arg6[%parallel_loop3A_264, %parallel_loop3A_265, %parallel_loop3A_266] {strides = array<i32>} : memref<4x128x128xf32, #tpu.memory_space<vmem>>, vector<16xf32>,
      %parallel_loop3A_268 = arith.constant 3 : i32
      %parallel_loop3A_269 = arith.index_cast %parallel_loop3A_268 : i32 to index
      %parallel_loop3A_270 = arith.index_cast %parallel_loop3A_247 : i32 to index
      %parallel_loop3A_271 = arith.constant 64 : index
      %parallel_loop3A_272 = tpu.vector_load %arg6[%parallel_loop3A_269, %parallel_loop3A_270, %parallel_loop3A_271] {strides = array<i32>} : memref<4x128x128xf32, #tpu.memory_space<vmem>>, vector<16xf32>,
      %parallel_loop3A_273 = arith.constant 3 : i32
      %parallel_loop3A_274 = arith.index_cast %parallel_loop3A_273 : i32 to index
      %parallel_loop3A_275 = arith.index_cast %parallel_loop3A_247 : i32 to index
      %parallel_loop3A_276 = arith.constant 80 : index
      %parallel_loop3A_277 = tpu.vector_load %arg6[%parallel_loop3A_274, %parallel_loop3A_275, %parallel_loop3A_276] {strides = array<i32>} : memref<4x128x128xf32, #tpu.memory_space<vmem>>, vector<16xf32>,
      %parallel_loop3A_278 = arith.constant 3 : i32
      %parallel_loop3A_279 = arith.index_cast %parallel_loop3A_278 : i32 to index
      %parallel_loop3A_280 = arith.index_cast %parallel_loop3A_247 : i32 to index
      %parallel_loop3A_281 = arith.constant 96 : index
      %parallel_loop3A_282 = tpu.vector_load %arg6[%parallel_loop3A_279, %parallel_loop3A_280, %parallel_loop3A_281] {strides = array<i32>} : memref<4x128x128xf32, #tpu.memory_space<vmem>>, vector<16xf32>,
      %parallel_loop3A_283 = arith.constant 3 : i32
      %parallel_loop3A_284 = arith.index_cast %parallel_loop3A_283 : i32 to index
      %parallel_loop3A_285 = arith.index_cast %parallel_loop3A_247 : i32 to index
      %parallel_loop3A_286 = arith.constant 112 : index
      %parallel_loop3A_287 = tpu.vector_load %arg6[%parallel_loop3A_284, %parallel_loop3A_285, %parallel_loop3A_286] {strides = array<i32>} : memref<4x128x128xf32, #tpu.memory_space<vmem>>, vector<16xf32>,
      %parallel_loop3A_288 = arith.mulf %parallel_loop3A_252, %parallel_loop3A_252 : vector<16xf32>
      %parallel_loop3A_289 = arith.mulf %parallel_loop3A_257, %parallel_loop3A_257 : vector<16xf32>
      %parallel_loop3A_290 = arith.mulf %parallel_loop3A_262, %parallel_loop3A_262 : vector<16xf32>
      %parallel_loop3A_291 = arith.mulf %parallel_loop3A_267, %parallel_loop3A_267 : vector<16xf32>
      %parallel_loop3A_292 = arith.mulf %parallel_loop3A_272, %parallel_loop3A_272 : vector<16xf32>
      %parallel_loop3A_293 = arith.mulf %parallel_loop3A_277, %parallel_loop3A_277 : vector<16xf32>
      %parallel_loop3A_294 = arith.mulf %parallel_loop3A_282, %parallel_loop3A_282 : vector<16xf32>
      %parallel_loop3A_295 = arith.mulf %parallel_loop3A_287, %parallel_loop3A_287 : vector<16xf32>
      %parallel_loop3A_296 = arith.addf %parallel_loop3A_288, %parallel_loop3A_289 : vector<16xf32>
      %parallel_loop3A_297 = arith.addf %parallel_loop3A_290, %parallel_loop3A_291 : vector<16xf32>
      %parallel_loop3A_298 = arith.addf %parallel_loop3A_292, %parallel_loop3A_293 : vector<16xf32>
      %parallel_loop3A_299 = arith.addf %parallel_loop3A_294, %parallel_loop3A_295 : vector<16xf32>
      %parallel_loop3A_300 = arith.addf %parallel_loop3A_296, %parallel_loop3A_297 : vector<16xf32>
      %parallel_loop3A_301 = arith.addf %parallel_loop3A_298, %parallel_loop3A_299 : vector<16xf32>
      %parallel_loop3A_302 = arith.addf %parallel_loop3A_300, %parallel_loop3A_301 : vector<16xf32>
      %parallel_loop3A_303 = vector.shape_cast %broadcast_in_dim3A : vector<16x1xi32> to vector<16xi32>
      %parallel_loop3A_304 = tpu.dynamic_gather %parallel_loop3A_302[%parallel_loop3A_303] in [0] : vector<16xf32>, vector<16xi32> -> vector<16xf32>
      %parallel_loop3A_305 = arith.addf %parallel_loop3A_302, %parallel_loop3A_304 : vector<16xf32>
      %parallel_loop3A_306 = vector.shape_cast %broadcast_in_dim3A_62 : vector<16x1xi32> to vector<16xi32>
      %parallel_loop3A_307 = tpu.dynamic_gather %parallel_loop3A_305[%parallel_loop3A_306] in [0] : vector<16xf32>, vector<16xi32> -> vector<16xf32>
      %parallel_loop3A_308 = arith.addf %parallel_loop3A_305, %parallel_loop3A_307 : vector<16xf32>
      %parallel_loop3A_309 = vector.shape_cast %broadcast_in_dim3A_69 : vector<16x1xi32> to vector<16xi32>
      %parallel_loop3A_310 = tpu.dynamic_gather %parallel_loop3A_308[%parallel_loop3A_309] in [0] : vector<16xf32>, vector<16xi32> -> vector<16xf32>
      %parallel_loop3A_311 = arith.addf %parallel_loop3A_308, %parallel_loop3A_310 : vector<16xf32>
      %parallel_loop3A_312 = vector.shape_cast %broadcast_in_dim3A_76 : vector<16x1xi32> to vector<16xi32>
      %parallel_loop3A_313 = tpu.dynamic_gather %parallel_loop3A_311[%parallel_loop3A_312] in [0] : vector<16xf32>, vector<16xi32> -> vector<16xf32>
      %parallel_loop3A_314 = arith.addf %parallel_loop3A_311, %parallel_loop3A_313 : vector<16xf32>
      %parallel_loop3A_315 = arith.constant 1.000000e-24 : f32
      %parallel_loop3A_316 = vector.broadcast %parallel_loop3A_315 : f32 to vector<16xf32>
      %parallel_loop3A_317 = arith.maximumf %parallel_loop3A_314, %parallel_loop3A_316 : vector<16xf32>
      %parallel_loop3A_318 = vector.bitcast %parallel_loop3A_317 : vector<16xf32> to vector<16xi32>
      %parallel_loop3A_319 = arith.constant 1 : i32
      %parallel_loop3A_320 = vector.broadcast %parallel_loop3A_319 : i32 to vector<16xi32>
      %parallel_loop3A_321 = arith.shrsi %parallel_loop3A_318, %parallel_loop3A_320 : vector<16xi32>
      %parallel_loop3A_322 = arith.constant 1597463007 : i32
      %parallel_loop3A_323 = vector.broadcast %parallel_loop3A_322 : i32 to vector<16xi32>
      %parallel_loop3A_324 = arith.subi %parallel_loop3A_323, %parallel_loop3A_321 : vector<16xi32>
      %parallel_loop3A_325 = vector.bitcast %parallel_loop3A_324 : vector<16xi32> to vector<16xf32>
      %parallel_loop3A_326 = arith.constant 5.000000e-01 : f32
      %parallel_loop3A_327 = vector.broadcast %parallel_loop3A_326 : f32 to vector<16xf32>
      %parallel_loop3A_328 = arith.mulf %parallel_loop3A_317, %parallel_loop3A_327 : vector<16xf32>
      %parallel_loop3A_329 = arith.mulf %parallel_loop3A_328, %parallel_loop3A_325 : vector<16xf32>
      %parallel_loop3A_330 = arith.mulf %parallel_loop3A_329, %parallel_loop3A_325 : vector<16xf32>
      %parallel_loop3A_331 = arith.constant 1.500000e+00 : f32
      %parallel_loop3A_332 = vector.broadcast %parallel_loop3A_331 : f32 to vector<16xf32>
      %parallel_loop3A_333 = arith.subf %parallel_loop3A_332, %parallel_loop3A_330 : vector<16xf32>
      %parallel_loop3A_334 = arith.mulf %parallel_loop3A_325, %parallel_loop3A_333 : vector<16xf32>
      %parallel_loop3A_335 = arith.mulf %parallel_loop3A_252, %parallel_loop3A_334 : vector<16xf32>
      %parallel_loop3A_336 = arith.constant 3 : i32
      %parallel_loop3A_337 = arith.index_cast %parallel_loop3A_336 : i32 to index
      %parallel_loop3A_338 = arith.index_cast %parallel_loop3A_247 : i32 to index
      %parallel_loop3A_339 = arith.constant 0 : index
      %parallel_loop3A_340 = tpu.vector_load %arg6[%parallel_loop3A_337, %parallel_loop3A_338, %parallel_loop3A_339] {strides = array<i32>} : memref<4x128x128xf32, #tpu.memory_space<vmem>>, vector<16xf32>,
      tpu.vector_store %arg6[%parallel_loop3A_337, %parallel_loop3A_338, %parallel_loop3A_339], %parallel_loop3A_335 {strides = array<i32>} : memref<4x128x128xf32, #tpu.memory_space<vmem>>, vector<16xf32>,
      %parallel_loop3A_341 = arith.mulf %parallel_loop3A_257, %parallel_loop3A_334 : vector<16xf32>
      %parallel_loop3A_342 = arith.constant 3 : i32
      %parallel_loop3A_343 = arith.index_cast %parallel_loop3A_342 : i32 to index
      %parallel_loop3A_344 = arith.index_cast %parallel_loop3A_247 : i32 to index
      %parallel_loop3A_345 = arith.constant 16 : index
      %parallel_loop3A_346 = tpu.vector_load %arg6[%parallel_loop3A_343, %parallel_loop3A_344, %parallel_loop3A_345] {strides = array<i32>} : memref<4x128x128xf32, #tpu.memory_space<vmem>>, vector<16xf32>,
      tpu.vector_store %arg6[%parallel_loop3A_343, %parallel_loop3A_344, %parallel_loop3A_345], %parallel_loop3A_341 {strides = array<i32>} : memref<4x128x128xf32, #tpu.memory_space<vmem>>, vector<16xf32>,
      %parallel_loop3A_347 = arith.mulf %parallel_loop3A_262, %parallel_loop3A_334 : vector<16xf32>
      %parallel_loop3A_348 = arith.constant 3 : i32
      %parallel_loop3A_349 = arith.index_cast %parallel_loop3A_348 : i32 to index
      %parallel_loop3A_350 = arith.index_cast %parallel_loop3A_247 : i32 to index
      %parallel_loop3A_351 = arith.constant 32 : index
      %parallel_loop3A_352 = tpu.vector_load %arg6[%parallel_loop3A_349, %parallel_loop3A_350, %parallel_loop3A_351] {strides = array<i32>} : memref<4x128x128xf32, #tpu.memory_space<vmem>>, vector<16xf32>,
      tpu.vector_store %arg6[%parallel_loop3A_349, %parallel_loop3A_350, %parallel_loop3A_351], %parallel_loop3A_347 {strides = array<i32>} : memref<4x128x128xf32, #tpu.memory_space<vmem>>, vector<16xf32>,
      %parallel_loop3A_353 = arith.mulf %parallel_loop3A_267, %parallel_loop3A_334 : vector<16xf32>
      %parallel_loop3A_354 = arith.constant 3 : i32
      %parallel_loop3A_355 = arith.index_cast %parallel_loop3A_354 : i32 to index
      %parallel_loop3A_356 = arith.index_cast %parallel_loop3A_247 : i32 to index
      %parallel_loop3A_357 = arith.constant 48 : index
      %parallel_loop3A_358 = tpu.vector_load %arg6[%parallel_loop3A_355, %parallel_loop3A_356, %parallel_loop3A_357] {strides = array<i32>} : memref<4x128x128xf32, #tpu.memory_space<vmem>>, vector<16xf32>,
      tpu.vector_store %arg6[%parallel_loop3A_355, %parallel_loop3A_356, %parallel_loop3A_357], %parallel_loop3A_353 {strides = array<i32>} : memref<4x128x128xf32, #tpu.memory_space<vmem>>, vector<16xf32>,
      %parallel_loop3A_359 = arith.mulf %parallel_loop3A_272, %parallel_loop3A_334 : vector<16xf32>
      %parallel_loop3A_360 = arith.constant 3 : i32
      %parallel_loop3A_361 = arith.index_cast %parallel_loop3A_360 : i32 to index
      %parallel_loop3A_362 = arith.index_cast %parallel_loop3A_247 : i32 to index
      %parallel_loop3A_363 = arith.constant 64 : index
      %parallel_loop3A_364 = tpu.vector_load %arg6[%parallel_loop3A_361, %parallel_loop3A_362, %parallel_loop3A_363] {strides = array<i32>} : memref<4x128x128xf32, #tpu.memory_space<vmem>>, vector<16xf32>,
      tpu.vector_store %arg6[%parallel_loop3A_361, %parallel_loop3A_362, %parallel_loop3A_363], %parallel_loop3A_359 {strides = array<i32>} : memref<4x128x128xf32, #tpu.memory_space<vmem>>, vector<16xf32>,
      %parallel_loop3A_365 = arith.mulf %parallel_loop3A_277, %parallel_loop3A_334 : vector<16xf32>
      %parallel_loop3A_366 = arith.constant 3 : i32
      %parallel_loop3A_367 = arith.index_cast %parallel_loop3A_366 : i32 to index
      %parallel_loop3A_368 = arith.index_cast %parallel_loop3A_247 : i32 to index
      %parallel_loop3A_369 = arith.constant 80 : index
      %parallel_loop3A_370 = tpu.vector_load %arg6[%parallel_loop3A_367, %parallel_loop3A_368, %parallel_loop3A_369] {strides = array<i32>} : memref<4x128x128xf32, #tpu.memory_space<vmem>>, vector<16xf32>,
      tpu.vector_store %arg6[%parallel_loop3A_367, %parallel_loop3A_368, %parallel_loop3A_369], %parallel_loop3A_365 {strides = array<i32>} : memref<4x128x128xf32, #tpu.memory_space<vmem>>, vector<16xf32>,
      %parallel_loop3A_371 = arith.mulf %parallel_loop3A_282, %parallel_loop3A_334 : vector<16xf32>
      %parallel_loop3A_372 = arith.constant 3 : i32
      %parallel_loop3A_373 = arith.index_cast %parallel_loop3A_372 : i32 to index
      %parallel_loop3A_374 = arith.index_cast %parallel_loop3A_247 : i32 to index
      %parallel_loop3A_375 = arith.constant 96 : index
      %parallel_loop3A_376 = tpu.vector_load %arg6[%parallel_loop3A_373, %parallel_loop3A_374, %parallel_loop3A_375] {strides = array<i32>} : memref<4x128x128xf32, #tpu.memory_space<vmem>>, vector<16xf32>,
      tpu.vector_store %arg6[%parallel_loop3A_373, %parallel_loop3A_374, %parallel_loop3A_375], %parallel_loop3A_371 {strides = array<i32>} : memref<4x128x128xf32, #tpu.memory_space<vmem>>, vector<16xf32>,
      %parallel_loop3A_377 = arith.mulf %parallel_loop3A_287, %parallel_loop3A_334 : vector<16xf32>
      %parallel_loop3A_378 = arith.constant 3 : i32
      %parallel_loop3A_379 = arith.index_cast %parallel_loop3A_378 : i32 to index
      %parallel_loop3A_380 = arith.index_cast %parallel_loop3A_247 : i32 to index
      %parallel_loop3A_381 = arith.constant 112 : index
      %parallel_loop3A_382 = tpu.vector_load %arg6[%parallel_loop3A_379, %parallel_loop3A_380, %parallel_loop3A_381] {strides = array<i32>} : memref<4x128x128xf32, #tpu.memory_space<vmem>>, vector<16xf32>,
      tpu.vector_store %arg6[%parallel_loop3A_379, %parallel_loop3A_380, %parallel_loop3A_381], %parallel_loop3A_377 {strides = array<i32>} : memref<4x128x128xf32, #tpu.memory_space<vmem>>, vector<16xf32>,
    } {sc.loop_unroll_factor = 4 : i64, sc.parallel_access}
    %add3A_180 = arith.constant 384 : i32
    %add3A_181 = arith.addi %mul3A_2, %add3A_180 : i32
    %dma_start3A_182 = arith.constant 3 : i32
    %dma_start3A_183 = arith.constant 0 : i32
    %dma_start3A_184 = arith.constant 0 : i32
    %dma_start3A_185 = tpu.memref_slice %arg6[%dma_start3A_182, %dma_start3A_183, %dma_start3A_184] : memref<4x128x128xf32, #tpu.memory_space<vmem>> -> memref<1x128x128xf32, #tpu.memory_space<vmem>>
    %dma_start3A_186 = tpu.memref_squeeze %dma_start3A_185 : memref<1x128x128xf32, #tpu.memory_space<vmem>> -> memref<128x128xf32, #tpu.memory_space<vmem>>
    %dma_start3A_187 = arith.constant 0 : i32
    %dma_start3A_188 = tpu.memref_slice %arg4[%add3A_181, %dma_start3A_187] : memref<16384x128xf32, #tpu.memory_space<hbm>> -> memref<128x128xf32, #tpu.memory_space<hbm>>
    %dma_start3A_189 = arith.constant 0 : i32
    %dma_start3A_190 = tpu.memref_slice %arg4[%add3A_181, %dma_start3A_189] : memref<16384x128xf32, #tpu.memory_space<hbm>> -> memref<128x128xf32, #tpu.memory_space<hbm>>
    %dma_start3A_191 = arith.constant 0 : i32
    %dma_start3A_192 = arith.constant 0 : i32
    %dma_start3A_193 = tpu.memref_slice %arg6[%dma_start3A_182, %dma_start3A_191, %dma_start3A_192] : memref<4x128x128xf32, #tpu.memory_space<vmem>> -> memref<1x128x128xf32, #tpu.memory_space<vmem>>
    %dma_start3A_194 = tpu.memref_squeeze %dma_start3A_193 : memref<1x128x128xf32, #tpu.memory_space<vmem>> -> memref<128x128xf32, #tpu.memory_space<vmem>>
    tpu.enqueue_dma source(%dma_start3A_194 : memref<128x128xf32, #tpu.memory_space<vmem>>) target(%dma_start3A_190 : memref<128x128xf32, #tpu.memory_space<hbm>>) target_semaphore(%arg11 : memref<!tpu.dma_semaphore, #tpu.memory_space<semaphore_mem>>)
    %dma_wait3A_195 = arith.constant 0 : i32
    %dma_wait3A_196 = arith.constant 0 : i32
    %dma_wait3A_197 = arith.constant 0 : i32
    %dma_wait3A_198 = tpu.memref_slice %arg6[%dma_wait3A_195, %dma_wait3A_196, %dma_wait3A_197] : memref<4x128x128xf32, #tpu.memory_space<vmem>> -> memref<1x128x128xf32, #tpu.memory_space<vmem>>
    %dma_wait3A_199 = tpu.memref_squeeze %dma_wait3A_198 : memref<1x128x128xf32, #tpu.memory_space<vmem>> -> memref<128x128xf32, #tpu.memory_space<vmem>>
    %dma_wait3A_200 = arith.constant 0 : i32
    %dma_wait3A_201 = tpu.memref_slice %arg4[%add3A_91, %dma_wait3A_200] : memref<16384x128xf32, #tpu.memory_space<hbm>> -> memref<128x128xf32, #tpu.memory_space<hbm>>
    %dma_wait3A_202 = arith.constant 0 : i32
    %dma_wait3A_203 = tpu.memref_slice %arg4[%add3A_91, %dma_wait3A_202] : memref<16384x128xf32, #tpu.memory_space<hbm>> -> memref<128x128xf32, #tpu.memory_space<hbm>>
    %dma_wait3A_204 = arith.constant 0 : i32
    %dma_wait3A_205 = arith.constant 0 : i32
    %dma_wait3A_206 = tpu.memref_slice %arg6[%dma_wait3A_195, %dma_wait3A_204, %dma_wait3A_205] : memref<4x128x128xf32, #tpu.memory_space<vmem>> -> memref<1x128x128xf32, #tpu.memory_space<vmem>>
    %dma_wait3A_207 = tpu.memref_squeeze %dma_wait3A_206 : memref<1x128x128xf32, #tpu.memory_space<vmem>> -> memref<128x128xf32, #tpu.memory_space<vmem>>
    tpu.wait_dma2 semaphore(%arg11 : memref<!tpu.dma_semaphore, #tpu.memory_space<semaphore_mem>>) src(%dma_wait3A_207 : memref<128x128xf32, #tpu.memory_space<vmem>>) dst(%dma_wait3A_203 : memref<128x128xf32, #tpu.memory_space<hbm>>)
    %dma_wait3A_208 = arith.constant 1 : i32
    %dma_wait3A_209 = arith.constant 0 : i32
    %dma_wait3A_210 = arith.constant 0 : i32
    %dma_wait3A_211 = tpu.memref_slice %arg6[%dma_wait3A_208, %dma_wait3A_209, %dma_wait3A_210] : memref<4x128x128xf32, #tpu.memory_space<vmem>> -> memref<1x128x128xf32, #tpu.memory_space<vmem>>
    %dma_wait3A_212 = tpu.memref_squeeze %dma_wait3A_211 : memref<1x128x128xf32, #tpu.memory_space<vmem>> -> memref<128x128xf32, #tpu.memory_space<vmem>>
    %dma_wait3A_213 = arith.constant 0 : i32
    %dma_wait3A_214 = tpu.memref_slice %arg4[%add3A_121, %dma_wait3A_213] : memref<16384x128xf32, #tpu.memory_space<hbm>> -> memref<128x128xf32, #tpu.memory_space<hbm>>
    %dma_wait3A_215 = arith.constant 0 : i32
    %dma_wait3A_216 = tpu.memref_slice %arg4[%add3A_121, %dma_wait3A_215] : memref<16384x128xf32, #tpu.memory_space<hbm>> -> memref<128x128xf32, #tpu.memory_space<hbm>>
    %dma_wait3A_217 = arith.constant 0 : i32
    %dma_wait3A_218 = arith.constant 0 : i32
    %dma_wait3A_219 = tpu.memref_slice %arg6[%dma_wait3A_208, %dma_wait3A_217, %dma_wait3A_218] : memref<4x128x128xf32, #tpu.memory_space<vmem>> -> memref<1x128x128xf32, #tpu.memory_space<vmem>>
    %dma_wait3A_220 = tpu.memref_squeeze %dma_wait3A_219 : memref<1x128x128xf32, #tpu.memory_space<vmem>> -> memref<128x128xf32, #tpu.memory_space<vmem>>
    tpu.wait_dma2 semaphore(%arg11 : memref<!tpu.dma_semaphore, #tpu.memory_space<semaphore_mem>>) src(%dma_wait3A_220 : memref<128x128xf32, #tpu.memory_space<vmem>>) dst(%dma_wait3A_216 : memref<128x128xf32, #tpu.memory_space<hbm>>)
    %dma_wait3A_221 = arith.constant 2 : i32
    %dma_wait3A_222 = arith.constant 0 : i32
    %dma_wait3A_223 = arith.constant 0 : i32
    %dma_wait3A_224 = tpu.memref_slice %arg6[%dma_wait3A_221, %dma_wait3A_222, %dma_wait3A_223] : memref<4x128x128xf32, #tpu.memory_space<vmem>> -> memref<1x128x128xf32, #tpu.memory_space<vmem>>
    %dma_wait3A_225 = tpu.memref_squeeze %dma_wait3A_224 : memref<1x128x128xf32, #tpu.memory_space<vmem>> -> memref<128x128xf32, #tpu.memory_space<vmem>>
    %dma_wait3A_226 = arith.constant 0 : i32
    %dma_wait3A_227 = tpu.memref_slice %arg4[%add3A_151, %dma_wait3A_226] : memref<16384x128xf32, #tpu.memory_space<hbm>> -> memref<128x128xf32, #tpu.memory_space<hbm>>
    %dma_wait3A_228 = arith.constant 0 : i32
    %dma_wait3A_229 = tpu.memref_slice %arg4[%add3A_151, %dma_wait3A_228] : memref<16384x128xf32, #tpu.memory_space<hbm>> -> memref<128x128xf32, #tpu.memory_space<hbm>>
    %dma_wait3A_230 = arith.constant 0 : i32
    %dma_wait3A_231 = arith.constant 0 : i32
    %dma_wait3A_232 = tpu.memref_slice %arg6[%dma_wait3A_221, %dma_wait3A_230, %dma_wait3A_231] : memref<4x128x128xf32, #tpu.memory_space<vmem>> -> memref<1x128x128xf32, #tpu.memory_space<vmem>>
    %dma_wait3A_233 = tpu.memref_squeeze %dma_wait3A_232 : memref<1x128x128xf32, #tpu.memory_space<vmem>> -> memref<128x128xf32, #tpu.memory_space<vmem>>
    tpu.wait_dma2 semaphore(%arg11 : memref<!tpu.dma_semaphore, #tpu.memory_space<semaphore_mem>>) src(%dma_wait3A_233 : memref<128x128xf32, #tpu.memory_space<vmem>>) dst(%dma_wait3A_229 : memref<128x128xf32, #tpu.memory_space<hbm>>)
    %dma_wait3A_234 = arith.constant 3 : i32
    %dma_wait3A_235 = arith.constant 0 : i32
    %dma_wait3A_236 = arith.constant 0 : i32
    %dma_wait3A_237 = tpu.memref_slice %arg6[%dma_wait3A_234, %dma_wait3A_235, %dma_wait3A_236] : memref<4x128x128xf32, #tpu.memory_space<vmem>> -> memref<1x128x128xf32, #tpu.memory_space<vmem>>
    %dma_wait3A_238 = tpu.memref_squeeze %dma_wait3A_237 : memref<1x128x128xf32, #tpu.memory_space<vmem>> -> memref<128x128xf32, #tpu.memory_space<vmem>>
    %dma_wait3A_239 = arith.constant 0 : i32
    %dma_wait3A_240 = tpu.memref_slice %arg4[%add3A_181, %dma_wait3A_239] : memref<16384x128xf32, #tpu.memory_space<hbm>> -> memref<128x128xf32, #tpu.memory_space<hbm>>
    %dma_wait3A_241 = arith.constant 0 : i32
    %dma_wait3A_242 = tpu.memref_slice %arg4[%add3A_181, %dma_wait3A_241] : memref<16384x128xf32, #tpu.memory_space<hbm>> -> memref<128x128xf32, #tpu.memory_space<hbm>>
    %dma_wait3A_243 = arith.constant 0 : i32
    %dma_wait3A_244 = arith.constant 0 : i32
    %dma_wait3A_245 = tpu.memref_slice %arg6[%dma_wait3A_234, %dma_wait3A_243, %dma_wait3A_244] : memref<4x128x128xf32, #tpu.memory_space<vmem>> -> memref<1x128x128xf32, #tpu.memory_space<vmem>>
    %dma_wait3A_246 = tpu.memref_squeeze %dma_wait3A_245 : memref<1x128x128xf32, #tpu.memory_space<vmem>> -> memref<128x128xf32, #tpu.memory_space<vmem>>
    tpu.wait_dma2 semaphore(%arg11 : memref<!tpu.dma_semaphore, #tpu.memory_space<semaphore_mem>>) src(%dma_wait3A_246 : memref<128x128xf32, #tpu.memory_space<vmem>>) dst(%dma_wait3A_242 : memref<128x128xf32, #tpu.memory_space<hbm>>)
    return
  }
}

</mosaic_0001>

<sc_bundles>
// kernel: kernel.3.cloned.1.call-start
scs
__scs_entry_jumppad:
0x0: {  	(pc) =	sbr.rel $0x88, $3  }
0x1: {  	(tag) =	ssettag $0x0;
	lr =	simm.s32 $0x1  }
0x2: {  	[smem:$0x3F9F] =	sst lr;
	_ =	strace $0xD0000000  }
0x3: {  	_ = 	snop  }
0x4: {  	_ = 	snop  }
0x5: {  	_ = 	snop  }
0x6: {  	_ = 	snop  }
0x7: {  	_ = 	snop  }
__scs_overlays_trampoline_lowered:
0x8: {  	[smem:$0x3FAE] =	sst s0  }
0x9: {  	[smem:$0x3FAF] =	sst s1  }
0xa: {  	[smem:$0x3FB0] =	sst s2  }
0xb: {  	[smem:$0x3FB1] =	sst s3  }
0xc: {  	[smem:$0x3FB2] =	sst s4  }
0xd: {  	[smem:$0x3FB3] =	sst s5  }
0xe: {  	[smem:$0x3FB4] =	sst s6  }
0xf: {  	[smem:$0x3FB5] =	sst s7  }
0x10: {  	[smem:$0x3FB6] =	sst s8  }
0x11: {  	[smem:$0x3FB7] =	sst s9;
	s0 =	simm.s32 @!p0 $0x0  }
0x12: {  	s1 =	sld [smem:$0x3F9D];
	s0 =	simm.s32 @p0 $0x1  }
0x13: {  	[smem:$0x3FB8] =	sst s0;
	s0 =	simm.s32 @!p1 $0x0  }
0x14: {  	s2 =	sld [smem:$0x3F9C];
	s0 =	simm.s32 @p1 $0x1  }
0x15: {  	[smem:$0x3FB9] =	sst s0;
	s0 =	simm.s32 @!p2 $0x0  }
0x16: {  	s3 =	sld [smem:$0x3FDB];
	s0 =	simm.s32 @p2 $0x1  }
0x17: {  	s4 =	simm.s32 $0x1BF5;
	[smem:$0x3FBB] =	sst s0  }
0x18: {  	s0 =	sld [smem:$0x3F9E];
	_ =	swait.ge [sflag:s4], $0x0  }
0x19: {  	s7 =	sld [smem:$0x3F9F]  }
0x1a: {  	s8 =	sadd.s32 $0xFFFFE003, lr  }
0x1b: {  	s9 =	sadd.s32 $0xFFFFFEF7, lr;
	s5 =	simm.s32 $0xFFFFFFFF;
	p2 =	slt.u32 s8, $0xFFFFF086  }
0x1c: {  	p1 =	slt.u32 s9, $0xF7A;
	s5 =	simm.s32 @!p2 $0x0  }
0x1d: {  	s5 =	simm.s32 @p1 $0x1;
	p0 =	seq.s32 s7, s2  }
0x1e: {  	s7 =	smul.u32 @!p0 $0xF7A, s2;
	p2 =	seq.s32 @!p0 s5, $0x0  }
0x1f: {  	s9 =	smul.u32 $0xF7A, s1;
	s8 =	simm.s32 @!p0 $0x1BF5;
	p2 =	por !p2, p0  }
0x20: {  	[sflag:s8] =	ssyncset.s32 @!p0 $0xFFFFF086;
	s6 =	sadd.s32 @!p0 s3, s7;
	s7 =	simm.s32 @!p0 $0x108  }
0x21: {  	s3 =	sadd.s32 s3, s9;
	s6 =	sadd.s32 @!p0 $0x88, s6;
	s7 =	simm.s32 @p2 $0x1082  }
0x22: {  	[simem:s7], [sflag:s8] =	dma.local @!p0 [hbm:s6], $0xF7A  }
0x23: {  	s9 =	sor.u32 $0xD0000000, s2;
	s6 =	simm.s32 $0x108;
	_ =	swait.ge @!p0 [sflag:s8], $0x0  }
0x24: {  	s3 =	sadd.s32 $0x88, s3;
	s6 =	simm.s32 @!p1 $0x1082;
	[sflag:s4] =	ssyncset.s32 $0xFFFFF086  }
0x25: {  	[simem:s6], [sflag:s4] =	dma.local [hbm:s3], $0xF7A  }
0x26: {  	[smem:$0x3F9F] =	sst s1;
	(tag) =	ssettag s2;
	_ =	strace s9  }
0x27: {  	s1 =	sld [smem:$0x3FAF]  }
0x28: {  	s2 =	sld [smem:$0x3FB0]  }
0x29: {  	s4 =	sld [smem:$0x3FB2]  }
0x2a: {  	p0 =	seq.s32 s5, $0x0;
	s5 =	sld [smem:$0x3FB3]  }
0x2b: {  	s6 =	sld [smem:$0x3FB4]  }
0x2c: {  	s7 =	sld [smem:$0x3FB5]  }
0x2d: {  	s3 =	simm.s32 $0x108;
	s8 =	sld [smem:$0x3FB6]  }
0x2e: {  	s3 =	simm.s32 @!p0 $0x1082;
	s9 =	sld [smem:$0x3FB7]  }
0x2f: {  	lr =	sadd.s32 s0, s3;
	s0 =	sld [smem:$0x3FAE]  }
0x30: {  	s3 =	sld [smem:$0x3FB1]  }
0x31: {  	[smem:$0x3FBA] =	sst s10  }
0x32: {  	s10 =	sld [smem:$0x3FB8];
	_ =	sdelay $0x3  }
0x33: {  	p0 =	seq.s32 s10, $0x1;
	s10 =	sld [smem:$0x3FBA];
	_ =	sdelay $0x3  }
0x34: {  	[smem:$0x3FBA] =	sst s10  }
0x35: {  	s10 =	sld [smem:$0x3FB9];
	_ =	sdelay $0x3  }
0x36: {  	p1 =	seq.s32 s10, $0x1;
	s10 =	sld [smem:$0x3FBA];
	_ =	sdelay $0x3  }
0x37: {  	[smem:$0x3FBA] =	sst s10  }
0x38: {  	s10 =	sld [smem:$0x3FBB]  }
0x39: {  	_ = 	snop;
	(pc) =	sbr.ind lr, $3  }
0x3a: {  	_ = 	snop  }
0x3b: {  	_ = 	snop  }
0x3c: {  	p2 =	seq.s32 s10, $0x1;
	s10 =	sld [smem:$0x3FBA]  }
0x3d: {  	_ =	shalt  }
0x3e: {  	_ =	shalt  }
0x3f: {  	_ =	shalt  }
0x40: {  	_ =	shalt  }
0x41: {  	_ =	shalt  }
0x42: {  	_ =	shalt  }
0x43: {  	_ =	shalt  }
0x44: {  	_ =	shalt  }
0x45: {  	_ =	shalt  }
0x46: {  	_ =	shalt  }
0x47: {  	_ =	shalt  }
0x48: {  	_ =	shalt  }
0x49: {  	_ =	shalt  }
0x4a: {  	_ =	shalt  }
0x4b: {  	_ =	shalt  }
0x4c: {  	_ =	shalt  }
0x4d: {  	_ =	shalt  }
0x4e: {  	_ =	shalt  }
0x4f: {  	_ =	shalt  }
0x50: {  	_ =	shalt  }
0x51: {  	_ =	shalt  }
0x52: {  	_ =	shalt  }
0x53: {  	_ =	shalt  }
0x54: {  	_ =	shalt  }
0x55: {  	_ =	shalt  }
0x56: {  	_ =	shalt  }
0x57: {  	_ =	shalt  }
0x58: {  	_ =	shalt  }
0x59: {  	_ =	shalt  }
0x5a: {  	_ =	shalt  }
0x5b: {  	_ =	shalt  }
0x5c: {  	_ =	shalt  }
0x5d: {  	_ =	shalt  }
0x5e: {  	_ =	shalt  }
0x5f: {  	_ =	shalt  }
0x60: {  	_ =	shalt  }
0x61: {  	_ =	shalt  }
0x62: {  	_ =	shalt  }
0x63: {  	_ =	shalt  }
0x64: {  	_ =	shalt  }
0x65: {  	_ =	shalt  }
0x66: {  	_ =	shalt  }
0x67: {  	_ =	shalt  }
0x68: {  	_ =	shalt  }
0x69: {  	_ =	shalt  }
0x6a: {  	_ =	shalt  }
0x6b: {  	_ =	shalt  }
0x6c: {  	_ =	shalt  }
0x6d: {  	_ =	shalt  }
0x6e: {  	_ =	shalt  }
0x6f: {  	_ =	shalt  }
0x70: {  	_ =	shalt  }
0x71: {  	_ =	shalt  }
0x72: {  	_ =	shalt  }
0x73: {  	_ =	shalt  }
0x74: {  	_ =	shalt  }
0x75: {  	_ =	shalt  }
0x76: {  	_ =	shalt  }
0x77: {  	_ =	shalt  }
0x78: {  	_ =	shalt  }
0x79: {  	_ =	shalt  }
0x7a: {  	_ =	shalt  }
0x7b: {  	_ =	shalt  }
0x7c: {  	_ =	shalt  }
0x7d: {  	_ =	shalt  }
0x7e: {  	_ =	shalt  }
0x7f: {  	_ =	shalt  }
0x80: {  	_ =	shalt  }
0x81: {  	_ =	shalt  }
0x82: {  	_ =	shalt  }
0x83: {  	_ =	shalt  }
0x84: {  	_ =	shalt  }
0x85: {  	_ =	shalt  }
0x86: {  	_ =	shalt  }
0x87: {  	_ =	shalt  }
.Lfunc_end0:
.L_simem_size_0:
called_computation_lowered:
.L_overlay_start_0:
0x88: {  	s2 =	sld [smem:$0x3FD9]  }
0x89: {  	s3 =	sld [smem:$0x3FFE];
	_ =	sdelay $0x1  }
0x8a: {  	s1 =	srdreg.scid  }
0x8b: {  	s0 =	sand.u32 $0x1, s1  }
0x8c: {  	s18 =	sshll.u32 s0, $0xA;
	s2 =	sadd.s32 s3, s2  }
0x8d: {  	s2 =	sadd.s32 s2, s18  }
0x8e: {  	[smem:$0x3FC6] =	sst s2  }
0x8f: {  	_ = 	snop  }
0x90: {  	s2 =	sld [smem:$0x3FC9]  }
0x91: {  	s19 =	sld [smem:$0x3FC8]  }
0x92: {  	s4 =	sld [smem:$0x3FD0];
	(tm) =	ssettm $0x1  }
0x93: {  	s5 =	sld [smem:$0x3FFB];
	_ =	sdelay $0x3  }
0x94: {  	_ =	strace s5  }
0x95: {  	s5 =	sld [smem:$0x3FFC];
	_ =	sdelay $0x3  }
0x96: {  	_ =	strace s5  }
0x97: {  	s5 =	sld [smem:$0x3FFD];
	_ =	sdelay $0x3  }
0x98: {  	_ =	strace s5  }
0x99: {  	_ =	strace $0x8FFFFFFF  }
0x9a: {  	s20 =	sld [smem:$0x3FDB];
	_ =	sdelay $0x1  }
0x9b: {  	s6 =	simm.s32 $_scs_section_size  }
0x9c: {  	s7 =	simm.s32 $_size__tile_overlayer_lowered;
	s8 =	simm.s32 $_tile_overlayer_lowered  }
0x9d: {  	s23 =	simm.s32 $0x1BFF;
	s22 =	sshll.u32 s8, $0x1;
	s5 =	sadd.s32 s6, s20  }
0x9e: {  	s9 =	simm.s32 $0x0;
	s21 =	sshll.u32 s7, $0x1;
	s7 =	sadd.s32 s22, s5  }
0x9f: {  	[timem:s9], [sflag:s23] =	dma.local [hbm:s7], s21  }
0xa0: {  	_ =	swait.ge [sflag:s23], s21  }
0xa1: {  	s6 =	ssub.s32 $0x0, s21;
	[sflag:s23] =	ssyncset.done $0x0  }
0xa2: {  	[sflag:s23] =	ssyncadd.s32 s6;
	_ =	sdelay $0x1  }
0xa3: {  	s24 =	simm.s32 $0x1B8B  }
0xa4: {  	_ =	swait.ge [sflag:s24], $0x1  }
0xa5: {  	[sflag:s24] =	ssyncset.done $0x0  }
0xa6: {  	s25 =	simm.s32 $0x1B8E;
	[sflag:s24] =	ssyncadd.s32 $0xFFFFFFFF  }
0xa7: {  	s26 =	simm.s32 $execute0_lowered;
	[smem:$0x3FD2] =	sst s25  }
0xa8: {  	s6 =	sshll.u32 s26, $0x1;
	_ =	strace $0x80000046;
	[dreg:$0x1] =	wrdreg $0xFFFFFFFF  }
0xa9: {  	s28 =	simm.s32 $_size_execute0_lowered;
	s5 =	sadd.s32 s5, s6;
	[dreg:$0x0] =	wrdreg $0x0  }
0xaa: {  	s6 =	sshll.u32 s28, $0x1;
	[dreg:$0x2] =	wrdreg s5  }
0xab: {  	[dreg:$0x3] =	wrdreg s6  }
0xac: {  	[dreg:$0x4] =	wrdreg $0xC0  }
0xad: {  	_ =	task [dreg:s9], $0x5FFFF  }
0xae: {  	[dreg:$0x1] =	wrdreg $0xFFFFFFFF  }
0xaf: {  	[dreg:$0x0] =	wrdreg $0x60  }
0xb0: {  	[dreg:$0x2] =	wrdreg s2  }
0xb1: {  	[dreg:$0x3] =	wrdreg s19  }
0xb2: {  	[dreg:$0x4] =	wrdreg s4  }
0xb3: {  	[dreg:$0x5] =	wrdreg $0x9  }
0xb4: {  	_ =	task.clear_ibuf [dreg:s9], $0x6FFFF;
	_ =	strace $0x90000046  }
0xb5: {  	s29 =	simm.s32 $0x9;
	_ =	strace $0x80000048  }
0xb6: {  	_ =	swait.ge [sflag:s29], $0x1  }
0xb7: {  	[sflag:s29] =	ssyncadd.s32 $0xFFFFFFFF  }
0xb8: {  	_ =	strace $0x90000048  }
0xb9: {  	_ =	sfence  }
0xba: {  	s30 =	sld [smem:$0x0];
	_ =	sdelay $0x2  }
0xbb: {  	s31 =	sshll.u32 s1, $0xD;
	s1 =	sshrl.u32 s1, $0x2  }
0xbc: {  	s3 =	sand.u32 $0x4000, s31;
	s1 =	sadd.s32 s1, s30  }
0xbd: {  	s0 =	sor.u32 s3, s0;
	s1 =	sshll.u32 s1, $0x11  }
0xbe: {  	s0 =	sor.u32 s1, s0  }
0xbf: {  	s0 =	sadd.s32 $0x8F2B, s0  }
0xc0: {  	[sflag:s0] =	ssyncadd.remote.s32 $0x1  }
0xc1: {  	_ =	sfence.sel $0xFFFF  }
0xc2: {  	[dreg:$0x0] =	wrdreg $0xFFFFFFFF;
	(pc) =	sbr.abs _section_cstart, $3  }
0xc3: {  	[dreg:$0x1] =	wrdreg $0xFFFFFFFF  }
0xc4: {  	_ =	task.clear_ibuf [dreg:s9], $0x2FFFF;
	_ =	strace $0x9FFFFFFF  }
0xc5: {  	(tm) =	ssettm $0x7FFFFFFF  }
tec
execute0_lowered:
.L_overlay_start_1:
0x0: {  	(tag) =	ssettag $0x1  }
0x1: {  	s5 =	rddreg [dreg:$0x0]  }
0x2: {  	s1 =	rddreg [dreg:$0x1]  }
0x3: {  	s7 =	rddreg [dreg:$0x2]  }
0x4: {  	s0 =	rddreg [dreg:$0x3];
	s2 =	simm.s32 $0x0;
	v0 =	vimm.s32 $0xFEDCBA98;
	s4 =	srdreg.scid;
	v1 =	vimm.s32 $0x76543210  }
0x5: {  	s3 =	stileid.u32;
	v2 =	vimm.s32 $0x3210FEDC;
	v3 =	vimm.s32 $0xBA987654;
	v4 =	vimm.s32 $0x10FEDCBA;
	s11 =	simm.s32 $0x6;
	s12 =	simm.s32 $0x80  }
0x6: {  	v5 =	vimm.s32 $0x98765432;
	v6 =	vimm.s32 $0xFEDCBA9;
	s13 =	simm.s32 $0x200;
	s14 =	simm.s32 $0x4200;
	s15 =	simm.s32 $0x100  }
0x7: {  	v7 =	vimm.s32 $0x87654321;
	s16 =	simm.s32 $0x8200;
	s17 =	simm.s32 $0x180;
	s18 =	simm.s32 $0xC200  }
0x8: {  	s19 =	simm.s32 $0x1;
	s20 =	simm.s32 $0x2;
	s21 =	simm.s32 $0x3;
	v0 =	vunpack.c.l.s4.s8 v0;
	v1 =	vunpack.c.l.s4.s8 v1;
	v2 =	vunpack.c.l.s4.s8 v2  }
0x9: {  	s22 =	simm.s32 $0x4;
	s23 =	simm.s32 $0x5;
	s4 =	sand.u32 $0x1, s4;
	v3 =	vunpack.c.l.s4.s8 v3;
	v4 =	vunpack.c.l.s4.s8 v4;
	v5 =	vunpack.c.l.s4.s8 v5  }
0xa: {  	s24 =	simm.s32 $0x0;
	[smem:$0x7FF] =	sst s2;
	v6 =	vunpack.c.l.s4.s8 v6;
	v7 =	vunpack.c.l.s4.s8 v7;
	s6 =	ssub.s32 $0x2, s4;
	v0 =	vunpack.c.0.s8.s32 v0  }
0xb: {  	s8 =	sshll.u32 s3, $0xA;
	s4 =	sshll.u32 s4, $0x9;
	s9 =	sshrl.u32 s6, $0x1;
	v2 =	vunpack.c.0.s8.s32 v2;
	v3 =	vunpack.c.0.s8.s32 v3;
	v4 =	vunpack.c.0.s8.s32 v4  }
0xc: {  	_ =	strace $0x80000047;
	s8 =	sor.u32 s4, s8;
	v5 =	vunpack.c.0.s8.s32 v5;
	v6 =	vunpack.c.0.s8.s32 v6;
	v7 =	vunpack.c.0.s8.s32 v7;
	s10 =	ssub.s32 s6, s9  }
0xd: {  	v1 =	vunpack.c.0.s8.s32 v1;
	s4 =	sshrl.u32 s8, $0x3;
	s29 =	sor.u32 $0x80, s8;
	s8 =	sshll.u32 s8, $0x4;
	v2 =	vcombine.low v3, v2  }
0xe: {  	s4 =	sadd.s32 s5, s4;
	s30 =	sshrl.u32 s29, $0x3;
	s6 =	sadd.s32 s7, s8;
	v3 =	vcombine.low v5, v4;
	v4 =	vcombine.low v7, v6;
	v0 =	vand.u32 $0xF, v0  }
0xf: {  	s31 =	sshll.u32 s29, $0x4;
	s10 =	smax.u32 s10, $0x1;
	s5 =	sadd.s32 s5, s30;
	v0 =	vcombine.low v0, v1  }
0x10: {  	s7 =	sadd.s32 s7, s31;
	s8 =	sadd.s32 $0x1000, s6;
	s9 =	sadd.s32 $0x1800, s6;
	v1 =	vand.u32 $0xF, v2;
	v2 =	vand.u32 $0xF, v3;
	v3 =	vand.u32 $0xF, v4  }
.LBB2_1:
0x11: {  	[tilespmem:s2], [sflag:$0x6] =	stream.linear.gather [hbm4b:s4+s2], $0x80, $0x38;
	[tilespmem:$0x10200] =	vst v63  }
0x12: {  	_ =	swait.ge [sflag:s11], $0x80  }
0x13: {  	[sflag:s11] =	ssyncset.done $0x0  }
0x14: {  	[sflag:s11] =	ssyncadd.s32 $0xFFFFFF80  }
0x15: {  	[tilespmem:s13], [sflag:$0x1] =	stream.indirect.gather [hbm4b:s1+s12], $0x80, s2, s12, $0xb8;
	[tilespmem:$0x10200] =	vst v63  }
0x16: {  	_ = 	snop  }
0x17: {  	[tilespmem:s12], [sflag:$0x6] =	stream.linear.gather [hbm4b:s5+s2], $0x180, $0x38;
	[tilespmem:$0x10200] =	vst v63  }
0x18: {  	_ =	swait.ge [sflag:s11], $0x180  }
0x19: {  	[sflag:s11] =	ssyncset.done $0x0  }
0x1a: {  	[sflag:s11] =	ssyncadd.s32 $0xFFFFFE80  }
0x1b: {  	[tilespmem:s14], [sflag:$0x2] =	stream.indirect.gather [hbm4b:s1+s12], $0x80, s12, s12, $0xb8;
	[tilespmem:$0x10200] =	vst v63  }
0x1c: {  	_ = 	snop  }
0x1d: {  	[tilespmem:s16], [sflag:$0x3] =	stream.indirect.gather [hbm4b:s1+s12], $0x80, s15, s12, $0xb8;
	[tilespmem:$0x10200] =	vst v63  }
0x1e: {  	_ = 	snop  }
0x1f: {  	[tilespmem:s18], [sflag:$0x4] =	stream.indirect.gather [hbm4b:s1+s12], $0x80, s17, s12, $0xb8;
	[tilespmem:$0x10200] =	vst v63  }
0x20: {  	_ =	swait.ge [sflag:s19], $0x4000  }
0x21: {  	[sflag:s19] =	ssyncset.done $0x0  }
0x22: {  	s25 =	simm.s32 $0x300;
	[sflag:s19] =	ssyncadd.s32 $0xFFFFC000  }
0x23: {  	v34 =	vld [tilespmem:s25+$0x80]  }
0x24: {  	v33 =	vld [tilespmem:s25+$0x90]  }
0x25: {  	v32 =	vld [tilespmem:s25+$0xA0]  }
0x26: {  	v31 =	vld [tilespmem:s25+$0xB0]  }
0x27: {  	v24 =	vld [tilespmem:s25+$0xC0]  }
0x28: {  	v25 =	vld [tilespmem:s25+$0xD0]  }
0x29: {  	v23 =	vld [tilespmem:s25+$0xE0]  }
0x2a: {  	v35 =	vld [tilespmem:s25+$0xF0]  }
0x2b: {  	v8 =	vld [tilespmem:s25+$0xFFFFFF10]  }
0x2c: {  	v4 =	vld [tilespmem:s25+$0xFFFFFF40]  }
0x2d: {  	v5 =	vld [tilespmem:s25+$0xFFFFFF50]  }
0x2e: {  	v6 =	vld [tilespmem:s25+$0xFFFFFF60]  }
0x2f: {  	v7 =	vld [tilespmem:s25+$0xFFFFFF70];
	v10 =	vmul.f32 v34, v34  }
0x30: {  	v28 =	vld [tilespmem:s25+$0xFFFFFF80];
	v11 =	vmul.f32 v33, v33;
	v12 =	vmul.f32 v32, v32  }
0x31: {  	v27 =	vld [tilespmem:s25+$0xFFFFFFA0];
	v14 =	vmul.f32 v31, v31;
	v15 =	vmul.f32 v24, v24  }
0x32: {  	v29 =	vld [tilespmem:s25+$0xFFFFFFB0];
	v16 =	vmul.f32 v25, v25;
	v17 =	vmul.f32 v23, v23  }
0x33: {  	v26 =	vld [tilespmem:s25+$0xFFFFFF90];
	v18 =	vmul.f32 v35, v35;
	v20 =	vmul.f32 v5, v5  }
0x34: {  	v9 =	vld [tilespmem:s25+$0xFFFFFF20];
	v22 =	vmul.f32 v6, v6;
	v30 =	vmul.f32 v7, v7  }
0x35: {  	v13 =	vld [tilespmem:s25+$0xFFFFFF30];
	v36 =	vmul.f32 v28, v28;
	v10 =	vadd.f32 v11, v10;
	v11 =	vadd.f32 v14, v12  }
0x36: {  	v37 =	vmul.f32 v27, v27;
	v12 =	vadd.f32 v16, v15;
	v14 =	vadd.f32 v18, v17;
	v16 =	vld [tilespmem:s25+$0xFFFFFFF0]  }
0x37: {  	v39 =	vmul.f32 v29, v29;
	v15 =	vmul.f32 v4, v4;
	v17 =	vld [tilespmem:s25+$0x0];
	v22 =	vadd.f32 v30, v22  }
0x38: {  	v30 =	vmul.f32 v26, v26;
	v11 =	vadd.f32 v11, v10;
	v12 =	vadd.f32 v14, v12;
	v10 =	vld [tilespmem:s25+$0xFFFFFFC0]  }
0x39: {  	v50 =	vadd.f32 v39, v37;
	v20 =	vadd.f32 v20, v15;
	v15 =	vld [tilespmem:s25+$0x20]  }
0x3a: {  	v30 =	vadd.f32 v30, v36;
	v14 =	vadd.f32 v12, v11;
	v11 =	vld [tilespmem:s25+$0xFFFFFFD0]  }
0x3b: {  	v19 =	vmul.f32 v13, v13;
	v18 =	vmul.f32 v9, v9;
	v12 =	vld [tilespmem:s25+$0xFFFFFFE0]  }
0x3c: {  	v36 =	vadd.f32 v50, v30;
	v30 =	vld [tilespmem:s25+$0xFFFFFF00];
	v21 =	vperm.xlane v14, v0  }
0x3d: {  	v38 =	vadd.f32 v19, v18;
	v18 =	vld [tilespmem:s25+$0x30]  }
0x3e: {  	v19 =	vld [tilespmem:s25+$0x40];
	v44 =	vmul.f32 v16, v16;
	v21 =	vadd.f32 v14, v21  }
0x3f: {  	v41 =	vadd.f32 v22, v20;
	v22 =	vmul.f32 v10, v10;
	v14 =	vld [tilespmem:s25+$0x10];
	v42 =	vmul.f32 v11, v11  }
0x40: {  	v20 =	vld [tilespmem:s25+$0x50];
	v43 =	vmul.f32 v12, v12;
	v40 =	vperm.xlane v21, v1  }
0x41: {  	v45 =	vmul.f32 v8, v8;
	v62 =	vmul.f32 v30, v30;
	v51 =	vadd.f32 v42, v22;
	v22 =	vld [tilespmem:s25+$0x70]  }
0x42: {  	v53 =	vadd.f32 v44, v43;
	v40 =	vadd.f32 v21, v40;
	v21 =	vld [tilespmem:s25+$0x60]  }
0x43: {  	v54 =	vmul.f32 v17, v17;
	v46 =	vmul.f32 v15, v15;
	v44 =	vadd.f32 v45, v62  }
0x44: {  	v56 =	vmul.f32 v18, v18;
	v55 =	vmul.f32 v14, v14;
	v37 =	vadd.f32 v53, v51  }
0x45: {  	v58 =	vmul.f32 v19, v19;
	v38 =	vadd.f32 v38, v44;
	v52 =	vperm.xlane v40, v2  }
0x46: {  	v60 =	vmul.f32 v20, v20;
	v57 =	vadd.f32 v55, v54;
	v36 =	vadd.f32 v37, v36  }
0x47: {  	v39 =	vadd.f32 v40, v52;
	v47 =	vmul.f32 v22, v22;
	v61 =	vmul.f32 v21, v21  }
0x48: {  	v37 =	vadd.f32 v60, v58;
	v40 =	vadd.f32 v56, v46;
	v48 =	vperm.xlane v36, v0  }
0x49: {  	v38 =	vadd.f32 v41, v38;
	v59 =	vperm.xlane v39, v3;
	v63 =	vadd.f32 v47, v61  }
0x4a: {  	v40 =	vadd.f32 v40, v57;
	v36 =	vadd.f32 v36, v48  }
0x4b: {  	v39 =	vadd.f32 v39, v59;
	v37 =	vadd.f32 v63, v37  }
0x4c: {  	v49 =	vperm.xlane v36, v1  }
0x4d: {  	v53 =	vperm.xlane v38, v0;
	v39 =	vmax.f32 v39, $1.000000020e-24;
	v37 =	vadd.f32 v37, v40  }
0x4e: {  	v50 =	vshra.s32 v39, $0x1;
	v39 =	vmul.f32 $5.000000000e-01, v39;
	v36 =	vadd.f32 v36, v49  }
0x4f: {  	v51 =	vsub.s32 $0x5F3759DF, v50;
	v52 =	vperm.xlane v37, v0  }
0x50: {  	v38 =	vadd.f32 v38, v53;
	v39 =	vmul.f32 v51, v39;
	v54 =	vperm.xlane v36, v2  }
0x51: {  	v37 =	vadd.f32 v37, v52  }
0x52: {  	v42 =	vperm.xlane v38, v1;
	v39 =	vmul.f32 v51, v39;
	v55 =	vadd.f32 v36, v54  }
0x53: {  	v57 =	vperm.xlane v37, v1  }
0x54: {  	v38 =	vadd.f32 v38, v42;
	v56 =	vsub.f32 $1.500000000e+00, v39;
	v43 =	vperm.xlane v55, v3  }
0x55: {  	v37 =	vadd.f32 v37, v57  }
0x56: {  	v60 =	vperm.xlane v38, v2;
	v36 =	vmul.f32 v51, v56;
	v58 =	vadd.f32 v55, v43  }
0x57: {  	v59 =	vperm.xlane v37, v2  }
0x58: {  	v38 =	vadd.f32 v38, v60;
	v40 =	vmul.f32 v36, v35;
	v39 =	vmax.f32 v58, $1.000000020e-24  }
0x59: {  	v61 =	vshra.s32 v39, $0x1;
	v39 =	vmul.f32 $5.000000000e-01, v39;
	v37 =	vadd.f32 v37, v59  }
0x5a: {  	v34 =	vmul.f32 v36, v34;
	v62 =	vmul.f32 v36, v33;
	v35 =	vsub.s32 $0x5F3759DF, v61  }
0x5b: {  	[tilespmem:s25+$0xF0] =	vst v40;
	v39 =	vmul.f32 v35, v39;
	v63 =	vperm.xlane v37, v3  }
0x5c: {  	v33 =	vmul.f32 v36, v32;
	[tilespmem:s25+$0x80] =	vst v34;
	v40 =	vperm.xlane v38, v3  }
0x5d: {  	s26 =	simm.s32 $0x0;
	s28 =	simm.s32 $0x500;
	v31 =	vmul.f32 v36, v31;
	[tilespmem:s25+$0x90] =	vst v62;
	v39 =	vmul.f32 v35, v39;
	v37 =	vadd.f32 v37, v63  }
.LBB2_2:
0x5e: {  	v34 =	vld [tilespmem:s28+$0x80];
	v32 =	vadd.f32 v38, v40;
	[tilespmem:s25+$0xA0] =	vst v33;
	v24 =	vmul.f32 v36, v24;
	v25 =	vmul.f32 v36, v25  }
0x5f: {  	v23 =	vmul.f32 v36, v23;
	v33 =	vld [tilespmem:s28+$0x90];
	v38 =	vsub.f32 $1.500000000e+00, v39;
	v37 =	vmax.f32 v37, $1.000000020e-24;
	[tilespmem:s25+$0xB0] =	vst v31  }
0x60: {  	v31 =	vld [tilespmem:s28+$0xA0];
	v36 =	vmax.f32 v32, $1.000000020e-24;
	v39 =	vshra.s32 v37, $0x1;
	v37 =	vmul.f32 $5.000000000e-01, v37;
	[tilespmem:s25+$0xC0] =	vst v24  }
0x61: {  	v32 =	vld [tilespmem:s28+$0xB0];
	v40 =	vshra.s32 v36, $0x1;
	v41 =	vmul.f32 $5.000000000e-01, v36;
	v39 =	vsub.s32 $0x5F3759DF, v39;
	[tilespmem:s25+$0xD0] =	vst v25  }
0x62: {  	v36 =	vmul.f32 v35, v38;
	v24 =	vld [tilespmem:s28+$0xC0];
	v40 =	vsub.s32 $0x5F3759DF, v40;
	v35 =	vmul.f32 v39, v37;
	[tilespmem:s25+$0xE0] =	vst v23  }
0x63: {  	v25 =	vld [tilespmem:s28+$0xD0];
	v37 =	vmul.f32 v40, v41  }
0x64: {  	v28 =	vmul.f32 v36, v28;
	v23 =	vld [tilespmem:s28+$0xE0];
	v38 =	vmul.f32 v39, v35  }
0x65: {  	s26 =	sadd.s32 $0x4, s26;
	v26 =	vmul.f32 v36, v26;
	v35 =	vld [tilespmem:s28+$0xF0];
	v37 =	vmul.f32 v40, v37  }
0x66: {  	p0 =	slt.u32 s26, $0x7C;
	v27 =	vmul.f32 v36, v27;
	v41 =	vld [tilespmem:s28+$0xFFFFFF10];
	[tilespmem:s25+$0xFFFFFF80] =	vst v28;
	v28 =	vmul.f32 v36, v29;
	v29 =	vsub.f32 $1.500000000e+00, v38  }
0x67: {  	v43 =	vmul.f32 v34, v34;
	v44 =	vmul.f32 v33, v33;
	v42 =	vld [tilespmem:s28+$0xFFFFFF20];
	v37 =	vsub.f32 $1.500000000e+00, v37;
	[tilespmem:s25+$0xFFFFFF90] =	vst v26  }
0x68: {  	v46 =	vmul.f32 v32, v32;
	v26 =	vmul.f32 v31, v31;
	v45 =	vld [tilespmem:s28+$0xFFFFFF30];
	[tilespmem:s25+$0xFFFFFFA0] =	vst v27  }
0x69: {  	v27 =	vmul.f32 v24, v24;
	v48 =	vmul.f32 v25, v25;
	v47 =	vld [tilespmem:s28+$0xFFFFFF40];
	[tilespmem:s25+$0xFFFFFFB0] =	vst v28  }
0x6a: {  	v28 =	vmul.f32 v23, v23;
	v49 =	vld [tilespmem:s28+$0xFFFFFF50];
	v50 =	vmul.f32 v35, v35  }
0x6b: {  	v43 =	vadd.f32 v44, v43;
	v44 =	vadd.f32 v46, v26;
	v51 =	vld [tilespmem:s28+$0xFFFFFF60];
	v38 =	vmul.f32 v41, v41  }
0x6c: {  	v27 =	vadd.f32 v48, v27;
	v46 =	vld [tilespmem:s28+$0xFFFFFF70];
	v52 =	vmul.f32 v42, v42;
	v48 =	vadd.f32 v50, v28  }
0x6d: {  	v40 =	vmul.f32 v40, v37;
	v50 =	vmul.f32 v45, v45;
	v28 =	vld [tilespmem:s28+$0xFFFFFF80]  }
0x6e: {  	v43 =	vadd.f32 v44, v43;
	v53 =	vmul.f32 v47, v47;
	v26 =	vld [tilespmem:s28+$0xFFFFFF90];
	v44 =	vadd.f32 v48, v27  }
0x6f: {  	v37 =	vmul.f32 v39, v29;
	v48 =	vmul.f32 v49, v49;
	v50 =	vadd.f32 v50, v52;
	v27 =	vld [tilespmem:s28+$0xFFFFFFA0]  }
0x70: {  	v30 =	vmul.f32 v40, v30;
	v39 =	vmul.f32 v51, v51;
	v29 =	vld [tilespmem:s28+$0xFFFFFFB0];
	v43 =	vadd.f32 v44, v43  }
0x71: {  	v44 =	vmul.f32 v46, v46;
	v48 =	vadd.f32 v48, v53;
	v52 =	vld [tilespmem:s28+$0xFFFFFFC0];
	v53 =	vmul.f32 v40, v8;
	v8 =	vmovc v41  }
0x72: {  	v41 =	vld [tilespmem:s28+$0xFFFFFFD0];
	v54 =	vmul.f32 v28, v28;
	v55 =	vperm.xlane v43, v0;
	[tilespmem:s25+$0xFFFFFF00] =	vst v30  }
0x73: {  	v30 =	vadd.f32 v44, v39;
	v39 =	vld [tilespmem:s28+$0xFFFFFFE0];
	v44 =	vmul.f32 v26, v26;
	[tilespmem:s25+$0xFFFFFF10] =	vst v53;
	v53 =	vmul.f32 v40, v9  }
0x74: {  	v58 =	vmul.f32 v40, v13;
	v9 =	vmovc v42;
	v56 =	vld [tilespmem:s28+$0xFFFFFFF0];
	v57 =	vmul.f32 v27, v27;
	v43 =	vadd.f32 v43, v55  }
0x75: {  	v42 =	vadd.f32 v30, v48;
	v30 =	vmul.f32 v29, v29;
	v44 =	vadd.f32 v44, v54;
	v48 =	vld [tilespmem:s28+$0x0];
	[tilespmem:s25+$0xFFFFFF20] =	vst v53  }
0x76: {  	v13 =	vmov v45;
	v53 =	vmul.f32 v52, v52;
	v54 =	vld [tilespmem:s28+$0x10];
	v55 =	vperm.xlane v43, v1;
	[tilespmem:s25+$0xFFFFFF30] =	vst v58  }
0x77: {  	v58 =	vmul.f32 v40, v4;
	v4 =	vmovc v47;
	v45 =	vmul.f32 v41, v41;
	v30 =	vadd.f32 v30, v57;
	v57 =	vld [tilespmem:s28+$0x20]  }
0x78: {  	v47 =	vmul.f32 v39, v39;
	v59 =	vld [tilespmem:s28+$0x30];
	v43 =	vadd.f32 v43, v55;
	v55 =	vmul.f32 v40, v5;
	v5 =	vmovc v49  }
0x79: {  	v49 =	vmul.f32 v56, v56;
	v45 =	vadd.f32 v45, v53;
	v44 =	vadd.f32 v30, v44;
	v53 =	vld [tilespmem:s28+$0x40];
	[tilespmem:s25+$0xFFFFFF40] =	vst v58  }
0x7a: {  	v58 =	vld [tilespmem:s28+$0x50];
	v60 =	vmul.f32 v48, v48;
	v30 =	vperm.xlane v43, v2;
	[tilespmem:s25+$0xFFFFFF50] =	vst v55  }
0x7b: {  	v61 =	vmul.f32 v40, v6;
	v6 =	vmovc v51;
	v47 =	vadd.f32 v49, v47;
	v49 =	vld [tilespmem:s28+$0x60];
	v55 =	vmul.f32 v54, v54  }
0x7c: {  	v40 =	vmul.f32 v40, v7;
	v7 =	vmovc v46;
	v51 =	vld [tilespmem:s28+$0x70];
	v62 =	vmul.f32 v57, v57;
	v43 =	vadd.f32 v43, v30  }
0x7d: {  	v30 =	vld [tilespmem:s28+$0xFFFFFF00];
	v45 =	vadd.f32 v47, v45;
	v46 =	vmul.f32 v59, v59;
	v47 =	vadd.f32 v55, v60;
	[tilespmem:s25+$0xFFFFFF60] =	vst v61  }
0x7e: {  	v55 =	vmul.f32 v53, v53;
	v60 =	vperm.xlane v43, v3;
	[tilespmem:s25+$0xFFFFFF70] =	vst v40  }
0x7f: {  	v40 =	vadd.f32 v45, v44;
	v44 =	vmul.f32 v58, v58;
	v45 =	vadd.f32 v46, v62  }
0x80: {  	v46 =	vmul.f32 v49, v49;
	v43 =	vadd.f32 v43, v60;
	v60 =	vmul.f32 v36, v10;
	v10 =	vmovc v52  }
0x81: {  	v52 =	vmul.f32 v51, v51;
	v44 =	vadd.f32 v44, v55;
	v45 =	vadd.f32 v45, v47  }
0x82: {  	v55 =	vperm.xlane v40, v0;
	v47 =	vmul.f32 v30, v30;
	v43 =	vmax.f32 v43, $1.000000020e-24;
	[tilespmem:s25+$0xFFFFFFC0] =	vst v60  }
0x83: {  	v46 =	vadd.f32 v52, v46;
	v52 =	vshra.s32 v43, $0x1;
	v43 =	vmul.f32 $5.000000000e-01, v43  }
0x84: {  	v40 =	vadd.f32 v40, v55;
	v38 =	vadd.f32 v38, v47;
	v47 =	vsub.s32 $0x5F3759DF, v52  }
0x85: {  	v44 =	vadd.f32 v46, v44;
	v43 =	vmul.f32 v47, v43;
	v46 =	vmul.f32 v36, v11;
	v11 =	vmovc v41  }
0x86: {  	v41 =	vperm.xlane v40, v1;
	v38 =	vadd.f32 v50, v38;
	v50 =	vmul.f32 v36, v12;
	v12 =	vmovc v39  }
0x87: {  	v39 =	vadd.f32 v44, v45;
	v43 =	vmul.f32 v47, v43;
	[tilespmem:s25+$0xFFFFFFD0] =	vst v46;
	v44 =	vmul.f32 v36, v16  }
0x88: {  	v40 =	vadd.f32 v40, v41;
	v45 =	vmul.f32 v37, v17;
	v38 =	vadd.f32 v42, v38;
	[tilespmem:s25+$0xFFFFFFE0] =	vst v50  }
0x89: {  	v16 =	vmovc v56;
	v42 =	vmul.f32 v37, v14;
	v36 =	vperm.xlane v39, v0;
	v41 =	vsub.f32 $1.500000000e+00, v43;
	[tilespmem:s25+$0xFFFFFFF0] =	vst v44  }
0x8a: {  	v17 =	vmovc v48;
	v14 =	vmov v54;
	v44 =	vperm.xlane v40, v2;
	v43 =	vperm.xlane v38, v0;
	[tilespmem:s25+$0x0] =	vst v45  }
0x8b: {  	v39 =	vadd.f32 v39, v36;
	v36 =	vmul.f32 v47, v41;
	[tilespmem:s25+$0x10] =	vst v42;
	v41 =	vmul.f32 v37, v15  }
0x8c: {  	v40 =	vadd.f32 v40, v44;
	v42 =	vmul.f32 v37, v18;
	v15 =	vmovc v57;
	v38 =	vadd.f32 v38, v43  }
0x8d: {  	v18 =	vmov v59;
	v43 =	vperm.xlane v39, v1;
	v35 =	vmul.f32 v36, v35;
	[tilespmem:s25+$0x20] =	vst v41  }
0x8e: {  	v44 =	vperm.xlane v40, v3;
	v41 =	vperm.xlane v38, v1;
	[tilespmem:s25+$0x30] =	vst v42  }
0x8f: {  	v42 =	vmul.f32 v37, v20;
	v39 =	vadd.f32 v39, v43;
	[tilespmem:s28+$0xF0] =	vst v35;
	v35 =	vmul.f32 v37, v19  }
0x90: {  	v40 =	vadd.f32 v40, v44;
	v19 =	vmovc v53;
	v38 =	vadd.f32 v38, v41;
	v41 =	vmul.f32 v37, v21  }
0x91: {  	v20 =	vmovc v58;
	v37 =	vmul.f32 v37, v22;
	v21 =	vmov v49;
	v43 =	vperm.xlane v39, v2;
	[tilespmem:s25+$0x40] =	vst v35  }
0x92: {  	v34 =	vmul.f32 v36, v34;
	v22 =	vmovc v51;
	v40 =	vmax.f32 v40, $1.000000020e-24;
	v35 =	vperm.xlane v38, v2;
	[tilespmem:s25+$0x50] =	vst v42  }
.Ltmp0:
0x93: {  	v42 =	vshra.s32 v40, $0x1;
	v40 =	vmul.f32 $5.000000000e-01, v40;
	v43 =	vadd.f32 v39, v43;
	[tilespmem:s25+$0x60] =	vst v41;
	(pc) =	sbr.rel @p0 .LBB2_2-.Ltmp0, $4  }
0x94: {  	v33 =	vmul.f32 v36, v33;
	v38 =	vadd.f32 v38, v35;
	v35 =	vsub.s32 $0x5F3759DF, v42;
	[tilespmem:s25+$0x70] =	vst v37;
	s25 =	smov.u32 s28  }
0x95: {  	v37 =	vmul.f32 v35, v40;
	v41 =	vperm.xlane v43, v3;
	[tilespmem:s28+$0x80] =	vst v34  }
0x96: {  	v40 =	vperm.xlane v38, v3;
	[tilespmem:s28+$0x90] =	vst v33;
	v33 =	vmul.f32 v36, v31  }
0x97: {  	v31 =	vmul.f32 v36, v32;
	s28 =	sadd.s32 $0x200, s28;
	v39 =	vmul.f32 v35, v37;
	v37 =	vadd.f32 v43, v41  }
0x98: {  	v32 =	vadd.f32 v38, v40;
	_ =	sdelay $0x1  }
0x99: {  	v32 =	vmax.f32 v32, $1.000000020e-24  }
0x9a: {  	v34 =	vshra.s32 v32, $0x1;
	v32 =	vmul.f32 $5.000000000e-01, v32  }
0x9b: {  	v34 =	vsub.s32 $0x5F3759DF, v34  }
0x9c: {  	v61 =	vsub.f32 $1.500000000e+00, v39;
	v32 =	vmul.f32 v34, v32  }
0x9d: {  	[tilespmem:s25+$0xA0] =	vst v33;
	v24 =	vmul.f32 v36, v24;
	v25 =	vmul.f32 v36, v25  }
0x9e: {  	[tilespmem:s25+$0xB0] =	vst v31;
	v31 =	vmul.f32 v35, v61;
	v32 =	vmul.f32 v34, v32  }
0x9f: {  	v23 =	vmul.f32 v36, v23;
	[tilespmem:s25+$0xC0] =	vst v24  }
0xa0: {  	[tilespmem:s25+$0xD0] =	vst v25;
	v24 =	vmul.f32 v31, v28;
	v25 =	vsub.f32 $1.500000000e+00, v32  }
0xa1: {  	[tilespmem:s25+$0xE0] =	vst v23;
	v23 =	vmul.f32 v31, v26  }
0xa2: {  	v26 =	vmul.f32 v31, v29;
	[tilespmem:s25+$0xFFFFFF80] =	vst v24;
	v25 =	vmul.f32 v34, v25  }
0xa3: {  	v24 =	vmul.f32 v31, v27;
	[tilespmem:s25+$0xFFFFFF90] =	vst v23  }
0xa4: {  	[tilespmem:s25+$0xFFFFFFB0] =	vst v26;
	v23 =	vmul.f32 v25, v30  }
0xa5: {  	[tilespmem:s25+$0xFFFFFFA0] =	vst v24;
	v24 =	vmax.f32 v37, $1.000000020e-24;
	v8 =	vmul.f32 v25, v8  }
0xa6: {  	v26 =	vshra.s32 v24, $0x1;
	v24 =	vmul.f32 $5.000000000e-01, v24;
	v9 =	vmul.f32 v25, v9;
	[tilespmem:s25+$0xFFFFFF00] =	vst v23  }
0xa7: {  	v4 =	vmul.f32 v25, v4;
	v23 =	vsub.s32 $0x5F3759DF, v26;
	[tilespmem:s25+$0xFFFFFF10] =	vst v8  }
0xa8: {  	v8 =	vmul.f32 v25, v13;
	[tilespmem:s25+$0xFFFFFF20] =	vst v9;
	v13 =	vmul.f32 v23, v24  }
0xa9: {  	v5 =	vmul.f32 v25, v5;
	[tilespmem:s25+$0xFFFFFF40] =	vst v4  }
0xaa: {  	v4 =	vmul.f32 v25, v6;
	[tilespmem:s25+$0xFFFFFF30] =	vst v8;
	v8 =	vmul.f32 v23, v13  }
0xab: {  	[tilespmem:s25+$0xFFFFFF50] =	vst v5;
	v5 =	vmul.f32 v25, v7  }
0xac: {  	[tilespmem:s25+$0xFFFFFF60] =	vst v4;
	v4 =	vmul.f32 v31, v10;
	v6 =	vsub.f32 $1.500000000e+00, v8  }
0xad: {  	[tilespmem:s25+$0xFFFFFF70] =	vst v5;
	v5 =	vmul.f32 v31, v11  }
0xae: {  	[tilespmem:s25+$0xFFFFFFC0] =	vst v4;
	v4 =	vmul.f32 v31, v12;
	v6 =	vmul.f32 v23, v6  }
0xaf: {  	[tilespmem:s25+$0xFFFFFFD0] =	vst v5;
	v5 =	vmul.f32 v31, v16  }
0xb0: {  	[tilespmem:s25+$0xFFFFFFE0] =	vst v4;
	v4 =	vmul.f32 v6, v17  }
0xb1: {  	[tilespmem:s25+$0xFFFFFFF0] =	vst v5;
	v5 =	vmul.f32 v6, v14  }
0xb2: {  	v7 =	vmul.f32 v6, v21;
	[tilespmem:s25+$0x0] =	vst v4  }
0xb3: {  	v4 =	vmul.f32 v6, v15;
	[tilespmem:s25+$0x10] =	vst v5  }
0xb4: {  	v5 =	vmul.f32 v6, v18;
	[tilespmem:s25+$0x60] =	vst v7  }
0xb5: {  	[tilespmem:s25+$0x20] =	vst v4;
	v4 =	vmul.f32 v6, v19  }
0xb6: {  	[tilespmem:s25+$0x30] =	vst v5;
	v5 =	vmul.f32 v6, v20  }
0xb7: {  	[tilespmem:s25+$0x40] =	vst v4;
	v4 =	vmul.f32 v6, v22  }
0xb8: {  	[tilespmem:s25+$0x50] =	vst v5  }
0xb9: {  	[tilespmem:s25+$0x70] =	vst v4  }
0xba: {  	[hbm4b:s6+s2] =	stream.linear.scatter [tilespmem:s13], [sflag:$0x5], $0x4000, $0x38;
	[tilespmem:$0x10200] =	vst v63  }
0xbb: {  	_ =	swait.ge [sflag:s20], $0x4000  }
0xbc: {  	[sflag:s20] =	ssyncset.done $0x0  }
0xbd: {  	s25 =	simm.s32 $0x4200;
	[sflag:s20] =	ssyncadd.s32 $0xFFFFC000  }
0xbe: {  	v34 =	vld [tilespmem:s25+$0x180]  }
0xbf: {  	v33 =	vld [tilespmem:s25+$0x190]  }
0xc0: {  	v32 =	vld [tilespmem:s25+$0x1A0]  }
0xc1: {  	v31 =	vld [tilespmem:s25+$0x1B0]  }
0xc2: {  	v24 =	vld [tilespmem:s25+$0x1C0]  }
0xc3: {  	v25 =	vld [tilespmem:s25+$0x1D0]  }
0xc4: {  	v23 =	vld [tilespmem:s25+$0x1E0]  }
0xc5: {  	v35 =	vld [tilespmem:s25+$0x1F0]  }
0xc6: {  	v8 =	vld [tilespmem:s25+$0x10]  }
0xc7: {  	v4 =	vld [tilespmem:s25+$0x40]  }
0xc8: {  	v5 =	vld [tilespmem:s25+$0x50]  }
0xc9: {  	v6 =	vld [tilespmem:s25+$0x60]  }
0xca: {  	v7 =	vld [tilespmem:s25+$0x70];
	v10 =	vmul.f32 v34, v34  }
0xcb: {  	v28 =	vld [tilespmem:s25+$0x80];
	v11 =	vmul.f32 v33, v33;
	v12 =	vmul.f32 v32, v32  }
0xcc: {  	v27 =	vld [tilespmem:s25+$0xA0];
	v14 =	vmul.f32 v31, v31;
	v15 =	vmul.f32 v24, v24  }
0xcd: {  	v29 =	vld [tilespmem:s25+$0xB0];
	v16 =	vmul.f32 v25, v25;
	v17 =	vmul.f32 v23, v23  }
0xce: {  	v26 =	vld [tilespmem:s25+$0x90];
	v18 =	vmul.f32 v35, v35;
	v20 =	vmul.f32 v5, v5  }
0xcf: {  	v9 =	vld [tilespmem:s25+$0x20];
	v22 =	vmul.f32 v6, v6;
	v30 =	vmul.f32 v7, v7  }
0xd0: {  	v13 =	vld [tilespmem:s25+$0x30];
	v62 =	vmul.f32 v28, v28;
	v10 =	vadd.f32 v11, v10;
	v11 =	vadd.f32 v14, v12  }
0xd1: {  	v63 =	vmul.f32 v27, v27;
	v12 =	vadd.f32 v16, v15;
	v14 =	vadd.f32 v18, v17;
	v16 =	vld [tilespmem:s25+$0xF0]  }
0xd2: {  	v48 =	vmul.f32 v29, v29;
	v15 =	vmul.f32 v4, v4;
	v17 =	vld [tilespmem:s25+$0x100];
	v22 =	vadd.f32 v30, v22  }
0xd3: {  	v30 =	vmul.f32 v26, v26;
	v11 =	vadd.f32 v11, v10;
	v12 =	vadd.f32 v14, v12;
	v10 =	vld [tilespmem:s25+$0xC0]  }
0xd4: {  	v50 =	vadd.f32 v48, v63;
	v20 =	vadd.f32 v20, v15;
	v15 =	vld [tilespmem:s25+$0x120]  }
0xd5: {  	v30 =	vadd.f32 v30, v62;
	v14 =	vadd.f32 v12, v11;
	v11 =	vld [tilespmem:s25+$0xD0]  }
0xd6: {  	v19 =	vmul.f32 v13, v13;
	v18 =	vmul.f32 v9, v9;
	v12 =	vld [tilespmem:s25+$0xE0]  }
0xd7: {  	v36 =	vadd.f32 v50, v30;
	v30 =	vld [tilespmem:s25+$0x0];
	v21 =	vperm.xlane v14, v0  }
0xd8: {  	v38 =	vadd.f32 v19, v18;
	v18 =	vld [tilespmem:s25+$0x130]  }
0xd9: {  	v19 =	vld [tilespmem:s25+$0x140];
	v44 =	vmul.f32 v16, v16;
	v21 =	vadd.f32 v14, v21  }
0xda: {  	v41 =	vadd.f32 v22, v20;
	v22 =	vmul.f32 v10, v10;
	v14 =	vld [tilespmem:s25+$0x110];
	v42 =	vmul.f32 v11, v11  }
0xdb: {  	v20 =	vld [tilespmem:s25+$0x150];
	v43 =	vmul.f32 v12, v12;
	v49 =	vperm.xlane v21, v1  }
0xdc: {  	v45 =	vmul.f32 v8, v8;
	v62 =	vmul.f32 v30, v30;
	v51 =	vadd.f32 v42, v22;
	v22 =	vld [tilespmem:s25+$0x170]  }
0xdd: {  	v53 =	vadd.f32 v44, v43;
	v40 =	vadd.f32 v21, v49;
	v21 =	vld [tilespmem:s25+$0x160]  }
0xde: {  	v54 =	vmul.f32 v17, v17;
	v46 =	vmul.f32 v15, v15;
	v44 =	vadd.f32 v45, v62  }
0xdf: {  	v56 =	vmul.f32 v18, v18;
	v55 =	vmul.f32 v14, v14;
	v37 =	vadd.f32 v53, v51  }
0xe0: {  	v58 =	vmul.f32 v19, v19;
	v38 =	vadd.f32 v38, v44;
	v52 =	vperm.xlane v40, v2  }
0xe1: {  	v60 =	vmul.f32 v20, v20;
	v57 =	vadd.f32 v55, v54;
	v36 =	vadd.f32 v37, v36  }
0xe2: {  	v39 =	vadd.f32 v40, v52;
	v47 =	vmul.f32 v22, v22;
	v61 =	vmul.f32 v21, v21  }
0xe3: {  	v37 =	vadd.f32 v60, v58;
	v40 =	vadd.f32 v56, v46;
	v48 =	vperm.xlane v36, v0  }
0xe4: {  	v38 =	vadd.f32 v41, v38;
	v59 =	vperm.xlane v39, v3;
	v63 =	vadd.f32 v47, v61  }
0xe5: {  	v40 =	vadd.f32 v40, v57;
	v36 =	vadd.f32 v36, v48  }
0xe6: {  	v39 =	vadd.f32 v39, v59;
	v37 =	vadd.f32 v63, v37  }
0xe7: {  	v49 =	vperm.xlane v36, v1  }
0xe8: {  	v53 =	vperm.xlane v38, v0;
	v39 =	vmax.f32 v39, $1.000000020e-24;
	v37 =	vadd.f32 v37, v40  }
0xe9: {  	v50 =	vshra.s32 v39, $0x1;
	v39 =	vmul.f32 $5.000000000e-01, v39;
	v36 =	vadd.f32 v36, v49  }
0xea: {  	v51 =	vsub.s32 $0x5F3759DF, v50;
	v52 =	vperm.xlane v37, v0  }
0xeb: {  	v38 =	vadd.f32 v38, v53;
	v39 =	vmul.f32 v51, v39;
	v54 =	vperm.xlane v36, v2  }
0xec: {  	v37 =	vadd.f32 v37, v52  }
0xed: {  	v42 =	vperm.xlane v38, v1;
	v39 =	vmul.f32 v51, v39;
	v55 =	vadd.f32 v36, v54  }
0xee: {  	v57 =	vperm.xlane v37, v1  }
0xef: {  	v38 =	vadd.f32 v38, v42;
	v56 =	vsub.f32 $1.500000000e+00, v39;
	v43 =	vperm.xlane v55, v3  }
0xf0: {  	v37 =	vadd.f32 v37, v57  }
0xf1: {  	v60 =	vperm.xlane v38, v2;
	v36 =	vmul.f32 v51, v56;
	v58 =	vadd.f32 v55, v43  }
0xf2: {  	v59 =	vperm.xlane v37, v2  }
0xf3: {  	v38 =	vadd.f32 v38, v60;
	v40 =	vmul.f32 v36, v35;
	v39 =	vmax.f32 v58, $1.000000020e-24  }
0xf4: {  	v61 =	vshra.s32 v39, $0x1;
	v39 =	vmul.f32 $5.000000000e-01, v39;
	v37 =	vadd.f32 v37, v59  }
0xf5: {  	v34 =	vmul.f32 v36, v34;
	v62 =	vmul.f32 v36, v33;
	v35 =	vsub.s32 $0x5F3759DF, v61  }
0xf6: {  	[tilespmem:s25+$0x1F0] =	vst v40;
	v39 =	vmul.f32 v35, v39;
	v63 =	vperm.xlane v37, v3  }
0xf7: {  	v33 =	vmul.f32 v36, v32;
	[tilespmem:s25+$0x180] =	vst v34;
	v40 =	vperm.xlane v38, v3  }
0xf8: {  	s26 =	simm.s32 $0x0;
	s28 =	simm.s32 $0x4400;
	v31 =	vmul.f32 v36, v31;
	[tilespmem:s25+$0x190] =	vst v62;
	v39 =	vmul.f32 v35, v39;
	v37 =	vadd.f32 v37, v63  }
.LBB2_4:
0xf9: {  	v34 =	vld [tilespmem:s28+$0x180];
	v32 =	vadd.f32 v38, v40;
	[tilespmem:s25+$0x1A0] =	vst v33;
	v24 =	vmul.f32 v36, v24;
	v25 =	vmul.f32 v36, v25  }
0xfa: {  	v23 =	vmul.f32 v36, v23;
	v33 =	vld [tilespmem:s28+$0x190];
	v38 =	vsub.f32 $1.500000000e+00, v39;
	v37 =	vmax.f32 v37, $1.000000020e-24;
	[tilespmem:s25+$0x1B0] =	vst v31  }
0xfb: {  	v31 =	vld [tilespmem:s28+$0x1A0];
	v36 =	vmax.f32 v32, $1.000000020e-24;
	v39 =	vshra.s32 v37, $0x1;
	v37 =	vmul.f32 $5.000000000e-01, v37;
	[tilespmem:s25+$0x1C0] =	vst v24  }
0xfc: {  	v32 =	vld [tilespmem:s28+$0x1B0];
	v40 =	vshra.s32 v36, $0x1;
	v41 =	vmul.f32 $5.000000000e-01, v36;
	v39 =	vsub.s32 $0x5F3759DF, v39;
	[tilespmem:s25+$0x1D0] =	vst v25  }
0xfd: {  	v36 =	vmul.f32 v35, v38;
	v24 =	vld [tilespmem:s28+$0x1C0];
	v40 =	vsub.s32 $0x5F3759DF, v40;
	v35 =	vmul.f32 v39, v37;
	[tilespmem:s25+$0x1E0] =	vst v23  }
0xfe: {  	v25 =	vld [tilespmem:s28+$0x1D0];
	v37 =	vmul.f32 v40, v41  }
0xff: {  	v28 =	vmul.f32 v36, v28;
	v23 =	vld [tilespmem:s28+$0x1E0];
	v38 =	vmul.f32 v39, v35  }
0x100: {  	s26 =	sadd.s32 $0x4, s26;
	v26 =	vmul.f32 v36, v26;
	v35 =	vld [tilespmem:s28+$0x1F0];
	v37 =	vmul.f32 v40, v37  }
0x101: {  	p0 =	slt.u32 s26, $0x7C;
	v27 =	vmul.f32 v36, v27;
	v41 =	vld [tilespmem:s28+$0x10];
	[tilespmem:s25+$0x80] =	vst v28;
	v28 =	vmul.f32 v36, v29;
	v29 =	vsub.f32 $1.500000000e+00, v38  }
0x102: {  	v43 =	vmul.f32 v34, v34;
	v44 =	vmul.f32 v33, v33;
	v42 =	vld [tilespmem:s28+$0x20];
	v37 =	vsub.f32 $1.500000000e+00, v37;
	[tilespmem:s25+$0x90] =	vst v26  }
0x103: {  	v46 =	vmul.f32 v32, v32;
	v26 =	vmul.f32 v31, v31;
	v45 =	vld [tilespmem:s28+$0x30];
	[tilespmem:s25+$0xA0] =	vst v27  }
0x104: {  	v27 =	vmul.f32 v24, v24;
	v48 =	vmul.f32 v25, v25;
	v47 =	vld [tilespmem:s28+$0x40];
	[tilespmem:s25+$0xB0] =	vst v28  }
0x105: {  	v28 =	vmul.f32 v23, v23;
	v49 =	vld [tilespmem:s28+$0x50];
	v50 =	vmul.f32 v35, v35  }
0x106: {  	v43 =	vadd.f32 v44, v43;
	v44 =	vadd.f32 v46, v26;
	v51 =	vld [tilespmem:s28+$0x60];
	v38 =	vmul.f32 v41, v41  }
0x107: {  	v27 =	vadd.f32 v48, v27;
	v46 =	vld [tilespmem:s28+$0x70];
	v52 =	vmul.f32 v42, v42;
	v48 =	vadd.f32 v50, v28  }
0x108: {  	v40 =	vmul.f32 v40, v37;
	v50 =	vmul.f32 v45, v45;
	v28 =	vld [tilespmem:s28+$0x80]  }
0x109: {  	v43 =	vadd.f32 v44, v43;
	v53 =	vmul.f32 v47, v47;
	v26 =	vld [tilespmem:s28+$0x90];
	v44 =	vadd.f32 v48, v27  }
0x10a: {  	v37 =	vmul.f32 v39, v29;
	v48 =	vmul.f32 v49, v49;
	v50 =	vadd.f32 v50, v52;
	v27 =	vld [tilespmem:s28+$0xA0]  }
0x10b: {  	v30 =	vmul.f32 v40, v30;
	v39 =	vmul.f32 v51, v51;
	v29 =	vld [tilespmem:s28+$0xB0];
	v43 =	vadd.f32 v44, v43  }
0x10c: {  	v44 =	vmul.f32 v46, v46;
	v48 =	vadd.f32 v48, v53;
	v52 =	vld [tilespmem:s28+$0xC0];
	v53 =	vmul.f32 v40, v8;
	v8 =	vmovc v41  }
0x10d: {  	v41 =	vld [tilespmem:s28+$0xD0];
	v54 =	vmul.f32 v28, v28;
	v55 =	vperm.xlane v43, v0;
	[tilespmem:s25+$0x0] =	vst v30  }
0x10e: {  	v30 =	vadd.f32 v44, v39;
	v39 =	vld [tilespmem:s28+$0xE0];
	v44 =	vmul.f32 v26, v26;
	[tilespmem:s25+$0x10] =	vst v53;
	v53 =	vmul.f32 v40, v9  }
0x10f: {  	v58 =	vmul.f32 v40, v13;
	v9 =	vmovc v42;
	v56 =	vld [tilespmem:s28+$0xF0];
	v57 =	vmul.f32 v27, v27;
	v43 =	vadd.f32 v43, v55  }
0x110: {  	v42 =	vadd.f32 v30, v48;
	v30 =	vmul.f32 v29, v29;
	v44 =	vadd.f32 v44, v54;
	v48 =	vld [tilespmem:s28+$0x100];
	[tilespmem:s25+$0x20] =	vst v53  }
0x111: {  	v13 =	vmov v45;
	v53 =	vmul.f32 v52, v52;
	v54 =	vld [tilespmem:s28+$0x110];
	v55 =	vperm.xlane v43, v1;
	[tilespmem:s25+$0x30] =	vst v58  }
0x112: {  	v58 =	vmul.f32 v40, v4;
	v4 =	vmovc v47;
	v45 =	vmul.f32 v41, v41;
	v30 =	vadd.f32 v30, v57;
	v57 =	vld [tilespmem:s28+$0x120]  }
0x113: {  	v47 =	vmul.f32 v39, v39;
	v59 =	vld [tilespmem:s28+$0x130];
	v43 =	vadd.f32 v43, v55;
	v55 =	vmul.f32 v40, v5;
	v5 =	vmovc v49  }
0x114: {  	v49 =	vmul.f32 v56, v56;
	v45 =	vadd.f32 v45, v53;
	v44 =	vadd.f32 v30, v44;
	v53 =	vld [tilespmem:s28+$0x140];
	[tilespmem:s25+$0x40] =	vst v58  }
0x115: {  	v58 =	vld [tilespmem:s28+$0x150];
	v60 =	vmul.f32 v48, v48;
	v30 =	vperm.xlane v43, v2;
	[tilespmem:s25+$0x50] =	vst v55  }
0x116: {  	v61 =	vmul.f32 v40, v6;
	v6 =	vmovc v51;
	v47 =	vadd.f32 v49, v47;
	v49 =	vld [tilespmem:s28+$0x160];
	v55 =	vmul.f32 v54, v54  }
0x117: {  	v40 =	vmul.f32 v40, v7;
	v7 =	vmovc v46;
	v51 =	vld [tilespmem:s28+$0x170];
	v62 =	vmul.f32 v57, v57;
	v43 =	vadd.f32 v43, v30  }
0x118: {  	v30 =	vld [tilespmem:s28+$0x0];
	v45 =	vadd.f32 v47, v45;
	v46 =	vmul.f32 v59, v59;
	v47 =	vadd.f32 v55, v60;
	[tilespmem:s25+$0x60] =	vst v61  }
0x119: {  	v55 =	vmul.f32 v53, v53;
	v60 =	vperm.xlane v43, v3;
	[tilespmem:s25+$0x70] =	vst v40  }
0x11a: {  	v40 =	vadd.f32 v45, v44;
	v44 =	vmul.f32 v58, v58;
	v45 =	vadd.f32 v46, v62  }
0x11b: {  	v46 =	vmul.f32 v49, v49;
	v43 =	vadd.f32 v43, v60;
	v60 =	vmul.f32 v36, v10;
	v10 =	vmovc v52  }
0x11c: {  	v52 =	vmul.f32 v51, v51;
	v44 =	vadd.f32 v44, v55;
	v45 =	vadd.f32 v45, v47  }
0x11d: {  	v55 =	vperm.xlane v40, v0;
	v47 =	vmul.f32 v30, v30;
	v43 =	vmax.f32 v43, $1.000000020e-24;
	[tilespmem:s25+$0xC0] =	vst v60  }
0x11e: {  	v46 =	vadd.f32 v52, v46;
	v52 =	vshra.s32 v43, $0x1;
	v43 =	vmul.f32 $5.000000000e-01, v43  }
0x11f: {  	v40 =	vadd.f32 v40, v55;
	v38 =	vadd.f32 v38, v47;
	v47 =	vsub.s32 $0x5F3759DF, v52  }
0x120: {  	v44 =	vadd.f32 v46, v44;
	v43 =	vmul.f32 v47, v43;
	v46 =	vmul.f32 v36, v11;
	v11 =	vmovc v41  }
0x121: {  	v41 =	vperm.xlane v40, v1;
	v38 =	vadd.f32 v50, v38;
	v50 =	vmul.f32 v36, v12;
	v12 =	vmovc v39  }
0x122: {  	v39 =	vadd.f32 v44, v45;
	v43 =	vmul.f32 v47, v43;
	[tilespmem:s25+$0xD0] =	vst v46;
	v44 =	vmul.f32 v36, v16  }
0x123: {  	v40 =	vadd.f32 v40, v41;
	v45 =	vmul.f32 v37, v17;
	v38 =	vadd.f32 v42, v38;
	[tilespmem:s25+$0xE0] =	vst v50  }
0x124: {  	v16 =	vmovc v56;
	v42 =	vmul.f32 v37, v14;
	v36 =	vperm.xlane v39, v0;
	v41 =	vsub.f32 $1.500000000e+00, v43;
	[tilespmem:s25+$0xF0] =	vst v44  }
0x125: {  	v17 =	vmovc v48;
	v14 =	vmov v54;
	v44 =	vperm.xlane v40, v2;
	v43 =	vperm.xlane v38, v0;
	[tilespmem:s25+$0x100] =	vst v45  }
0x126: {  	v39 =	vadd.f32 v39, v36;
	v36 =	vmul.f32 v47, v41;
	[tilespmem:s25+$0x110] =	vst v42;
	v41 =	vmul.f32 v37, v15  }
0x127: {  	v40 =	vadd.f32 v40, v44;
	v42 =	vmul.f32 v37, v18;
	v15 =	vmovc v57;
	v38 =	vadd.f32 v38, v43  }
0x128: {  	v18 =	vmov v59;
	v43 =	vperm.xlane v39, v1;
	v35 =	vmul.f32 v36, v35;
	[tilespmem:s25+$0x120] =	vst v41  }
0x129: {  	v44 =	vperm.xlane v40, v3;
	v41 =	vperm.xlane v38, v1;
	[tilespmem:s25+$0x130] =	vst v42  }
0x12a: {  	v42 =	vmul.f32 v37, v20;
	v39 =	vadd.f32 v39, v43;
	[tilespmem:s28+$0x1F0] =	vst v35;
	v35 =	vmul.f32 v37, v19  }
0x12b: {  	v40 =	vadd.f32 v40, v44;
	v19 =	vmovc v53;
	v38 =	vadd.f32 v38, v41;
	v41 =	vmul.f32 v37, v21  }
0x12c: {  	v20 =	vmovc v58;
	v37 =	vmul.f32 v37, v22;
	v21 =	vmov v49;
	v43 =	vperm.xlane v39, v2;
	[tilespmem:s25+$0x140] =	vst v35  }
0x12d: {  	v34 =	vmul.f32 v36, v34;
	v22 =	vmovc v51;
	v40 =	vmax.f32 v40, $1.000000020e-24;
	v35 =	vperm.xlane v38, v2;
	[tilespmem:s25+$0x150] =	vst v42  }
.Ltmp1:
0x12e: {  	v42 =	vshra.s32 v40, $0x1;
	v40 =	vmul.f32 $5.000000000e-01, v40;
	v43 =	vadd.f32 v39, v43;
	[tilespmem:s25+$0x160] =	vst v41;
	(pc) =	sbr.rel @p0 .LBB2_4-.Ltmp1, $4  }
0x12f: {  	v33 =	vmul.f32 v36, v33;
	v38 =	vadd.f32 v38, v35;
	v35 =	vsub.s32 $0x5F3759DF, v42;
	[tilespmem:s25+$0x170] =	vst v37;
	s25 =	smov.u32 s28  }
0x130: {  	v37 =	vmul.f32 v35, v40;
	v41 =	vperm.xlane v43, v3;
	[tilespmem:s28+$0x180] =	vst v34  }
0x131: {  	v40 =	vperm.xlane v38, v3;
	[tilespmem:s28+$0x190] =	vst v33;
	v33 =	vmul.f32 v36, v31  }
0x132: {  	v31 =	vmul.f32 v36, v32;
	s28 =	sadd.s32 $0x200, s28;
	v39 =	vmul.f32 v35, v37;
	v37 =	vadd.f32 v43, v41  }
0x133: {  	v32 =	vadd.f32 v38, v40;
	_ =	sdelay $0x1  }
0x134: {  	v32 =	vmax.f32 v32, $1.000000020e-24  }
0x135: {  	v34 =	vshra.s32 v32, $0x1;
	v32 =	vmul.f32 $5.000000000e-01, v32  }
0x136: {  	v34 =	vsub.s32 $0x5F3759DF, v34  }
0x137: {  	v61 =	vsub.f32 $1.500000000e+00, v39;
	v32 =	vmul.f32 v34, v32  }
0x138: {  	[tilespmem:s25+$0x1A0] =	vst v33;
	v24 =	vmul.f32 v36, v24;
	v25 =	vmul.f32 v36, v25  }
0x139: {  	[tilespmem:s25+$0x1B0] =	vst v31;
	v31 =	vmul.f32 v35, v61;
	v32 =	vmul.f32 v34, v32  }
0x13a: {  	v23 =	vmul.f32 v36, v23;
	[tilespmem:s25+$0x1C0] =	vst v24  }
0x13b: {  	[tilespmem:s25+$0x1D0] =	vst v25;
	v24 =	vmul.f32 v31, v28;
	v25 =	vsub.f32 $1.500000000e+00, v32  }
0x13c: {  	[tilespmem:s25+$0x1E0] =	vst v23;
	v23 =	vmul.f32 v31, v26  }
0x13d: {  	v26 =	vmul.f32 v31, v29;
	[tilespmem:s25+$0x80] =	vst v24;
	v25 =	vmul.f32 v34, v25  }
0x13e: {  	v24 =	vmul.f32 v31, v27;
	[tilespmem:s25+$0x90] =	vst v23  }
0x13f: {  	[tilespmem:s25+$0xB0] =	vst v26;
	v23 =	vmul.f32 v25, v30  }
0x140: {  	[tilespmem:s25+$0xA0] =	vst v24;
	v24 =	vmax.f32 v37, $1.000000020e-24;
	v8 =	vmul.f32 v25, v8  }
0x141: {  	v26 =	vshra.s32 v24, $0x1;
	v24 =	vmul.f32 $5.000000000e-01, v24;
	v9 =	vmul.f32 v25, v9;
	[tilespmem:s25+$0x0] =	vst v23  }
0x142: {  	v4 =	vmul.f32 v25, v4;
	v23 =	vsub.s32 $0x5F3759DF, v26;
	[tilespmem:s25+$0x10] =	vst v8  }
0x143: {  	v8 =	vmul.f32 v25, v13;
	[tilespmem:s25+$0x20] =	vst v9;
	v13 =	vmul.f32 v23, v24  }
0x144: {  	v5 =	vmul.f32 v25, v5;
	[tilespmem:s25+$0x40] =	vst v4  }
0x145: {  	v4 =	vmul.f32 v25, v6;
	[tilespmem:s25+$0x30] =	vst v8;
	v8 =	vmul.f32 v23, v13  }
0x146: {  	[tilespmem:s25+$0x50] =	vst v5;
	v5 =	vmul.f32 v25, v7  }
0x147: {  	[tilespmem:s25+$0x60] =	vst v4;
	v4 =	vmul.f32 v31, v10;
	v6 =	vsub.f32 $1.500000000e+00, v8  }
0x148: {  	[tilespmem:s25+$0x70] =	vst v5;
	v5 =	vmul.f32 v31, v11  }
0x149: {  	[tilespmem:s25+$0xC0] =	vst v4;
	v4 =	vmul.f32 v31, v12;
	v6 =	vmul.f32 v23, v6  }
0x14a: {  	[tilespmem:s25+$0xD0] =	vst v5;
	v5 =	vmul.f32 v31, v16  }
0x14b: {  	[tilespmem:s25+$0xE0] =	vst v4;
	v4 =	vmul.f32 v6, v17  }
0x14c: {  	[tilespmem:s25+$0xF0] =	vst v5;
	v5 =	vmul.f32 v6, v14  }
0x14d: {  	v7 =	vmul.f32 v6, v21;
	[tilespmem:s25+$0x100] =	vst v4  }
0x14e: {  	v4 =	vmul.f32 v6, v15;
	[tilespmem:s25+$0x110] =	vst v5  }
0x14f: {  	v5 =	vmul.f32 v6, v18;
	[tilespmem:s25+$0x160] =	vst v7  }
0x150: {  	[tilespmem:s25+$0x120] =	vst v4;
	v4 =	vmul.f32 v6, v19  }
0x151: {  	[tilespmem:s25+$0x130] =	vst v5;
	v5 =	vmul.f32 v6, v20  }
0x152: {  	[tilespmem:s25+$0x140] =	vst v4;
	v4 =	vmul.f32 v6, v22  }
0x153: {  	[tilespmem:s25+$0x150] =	vst v5  }
0x154: {  	[tilespmem:s25+$0x170] =	vst v4  }
0x155: {  	[hbm4b:s7+s2] =	stream.linear.scatter [tilespmem:s14], [sflag:$0x5], $0x4000, $0x38;
	[tilespmem:$0x10200] =	vst v63  }
0x156: {  	_ =	swait.ge [sflag:s21], $0x4000  }
0x157: {  	[sflag:s21] =	ssyncset.done $0x0  }
0x158: {  	s25 =	simm.s32 $0x8200;
	[sflag:s21] =	ssyncadd.s32 $0xFFFFC000  }
0x159: {  	v34 =	vld [tilespmem:s25+$0x180]  }
0x15a: {  	v33 =	vld [tilespmem:s25+$0x190]  }
0x15b: {  	v32 =	vld [tilespmem:s25+$0x1A0]  }
0x15c: {  	v31 =	vld [tilespmem:s25+$0x1B0]  }
0x15d: {  	v24 =	vld [tilespmem:s25+$0x1C0]  }
0x15e: {  	v25 =	vld [tilespmem:s25+$0x1D0]  }
0x15f: {  	v23 =	vld [tilespmem:s25+$0x1E0]  }
0x160: {  	v35 =	vld [tilespmem:s25+$0x1F0]  }
0x161: {  	v8 =	vld [tilespmem:s25+$0x10]  }
0x162: {  	v4 =	vld [tilespmem:s25+$0x40]  }
0x163: {  	v5 =	vld [tilespmem:s25+$0x50]  }
0x164: {  	v6 =	vld [tilespmem:s25+$0x60]  }
0x165: {  	v7 =	vld [tilespmem:s25+$0x70];
	v10 =	vmul.f32 v34, v34  }
0x166: {  	v28 =	vld [tilespmem:s25+$0x80];
	v11 =	vmul.f32 v33, v33;
	v12 =	vmul.f32 v32, v32  }
0x167: {  	v27 =	vld [tilespmem:s25+$0xA0];
	v14 =	vmul.f32 v31, v31;
	v15 =	vmul.f32 v24, v24  }
0x168: {  	v29 =	vld [tilespmem:s25+$0xB0];
	v16 =	vmul.f32 v25, v25;
	v17 =	vmul.f32 v23, v23  }
0x169: {  	v26 =	vld [tilespmem:s25+$0x90];
	v18 =	vmul.f32 v35, v35;
	v20 =	vmul.f32 v5, v5  }
0x16a: {  	v9 =	vld [tilespmem:s25+$0x20];
	v22 =	vmul.f32 v6, v6;
	v30 =	vmul.f32 v7, v7  }
0x16b: {  	v13 =	vld [tilespmem:s25+$0x30];
	v62 =	vmul.f32 v28, v28;
	v10 =	vadd.f32 v11, v10;
	v11 =	vadd.f32 v14, v12  }
0x16c: {  	v63 =	vmul.f32 v27, v27;
	v12 =	vadd.f32 v16, v15;
	v14 =	vadd.f32 v18, v17;
	v16 =	vld [tilespmem:s25+$0xF0]  }
0x16d: {  	v48 =	vmul.f32 v29, v29;
	v15 =	vmul.f32 v4, v4;
	v17 =	vld [tilespmem:s25+$0x100];
	v22 =	vadd.f32 v30, v22  }
0x16e: {  	v30 =	vmul.f32 v26, v26;
	v11 =	vadd.f32 v11, v10;
	v12 =	vadd.f32 v14, v12;
	v10 =	vld [tilespmem:s25+$0xC0]  }
0x16f: {  	v50 =	vadd.f32 v48, v63;
	v20 =	vadd.f32 v20, v15;
	v15 =	vld [tilespmem:s25+$0x120]  }
0x170: {  	v30 =	vadd.f32 v30, v62;
	v14 =	vadd.f32 v12, v11;
	v11 =	vld [tilespmem:s25+$0xD0]  }
0x171: {  	v19 =	vmul.f32 v13, v13;
	v18 =	vmul.f32 v9, v9;
	v12 =	vld [tilespmem:s25+$0xE0]  }
0x172: {  	v36 =	vadd.f32 v50, v30;
	v30 =	vld [tilespmem:s25+$0x0];
	v21 =	vperm.xlane v14, v0  }
0x173: {  	v38 =	vadd.f32 v19, v18;
	v18 =	vld [tilespmem:s25+$0x130]  }
0x174: {  	v19 =	vld [tilespmem:s25+$0x140];
	v44 =	vmul.f32 v16, v16;
	v21 =	vadd.f32 v14, v21  }
0x175: {  	v41 =	vadd.f32 v22, v20;
	v22 =	vmul.f32 v10, v10;
	v14 =	vld [tilespmem:s25+$0x110];
	v42 =	vmul.f32 v11, v11  }
0x176: {  	v20 =	vld [tilespmem:s25+$0x150];
	v43 =	vmul.f32 v12, v12;
	v49 =	vperm.xlane v21, v1  }
0x177: {  	v45 =	vmul.f32 v8, v8;
	v62 =	vmul.f32 v30, v30;
	v51 =	vadd.f32 v42, v22;
	v22 =	vld [tilespmem:s25+$0x170]  }
0x178: {  	v53 =	vadd.f32 v44, v43;
	v40 =	vadd.f32 v21, v49;
	v21 =	vld [tilespmem:s25+$0x160]  }
0x179: {  	v54 =	vmul.f32 v17, v17;
	v46 =	vmul.f32 v15, v15;
	v44 =	vadd.f32 v45, v62  }
0x17a: {  	v56 =	vmul.f32 v18, v18;
	v55 =	vmul.f32 v14, v14;
	v37 =	vadd.f32 v53, v51  }
0x17b: {  	v58 =	vmul.f32 v19, v19;
	v38 =	vadd.f32 v38, v44;
	v52 =	vperm.xlane v40, v2  }
0x17c: {  	v60 =	vmul.f32 v20, v20;
	v57 =	vadd.f32 v55, v54;
	v36 =	vadd.f32 v37, v36  }
0x17d: {  	v39 =	vadd.f32 v40, v52;
	v47 =	vmul.f32 v22, v22;
	v61 =	vmul.f32 v21, v21  }
0x17e: {  	v37 =	vadd.f32 v60, v58;
	v40 =	vadd.f32 v56, v46;
	v48 =	vperm.xlane v36, v0  }
0x17f: {  	v38 =	vadd.f32 v41, v38;
	v59 =	vperm.xlane v39, v3;
	v63 =	vadd.f32 v47, v61  }
0x180: {  	v40 =	vadd.f32 v40, v57;
	v36 =	vadd.f32 v36, v48  }
0x181: {  	v39 =	vadd.f32 v39, v59;
	v37 =	vadd.f32 v63, v37  }
0x182: {  	v49 =	vperm.xlane v36, v1  }
0x183: {  	v53 =	vperm.xlane v38, v0;
	v39 =	vmax.f32 v39, $1.000000020e-24;
	v37 =	vadd.f32 v37, v40  }
0x184: {  	v50 =	vshra.s32 v39, $0x1;
	v39 =	vmul.f32 $5.000000000e-01, v39;
	v36 =	vadd.f32 v36, v49  }
0x185: {  	v51 =	vsub.s32 $0x5F3759DF, v50;
	v52 =	vperm.xlane v37, v0  }
0x186: {  	v38 =	vadd.f32 v38, v53;
	v39 =	vmul.f32 v51, v39;
	v54 =	vperm.xlane v36, v2  }
0x187: {  	v37 =	vadd.f32 v37, v52  }
0x188: {  	v42 =	vperm.xlane v38, v1;
	v39 =	vmul.f32 v51, v39;
	v55 =	vadd.f32 v36, v54  }
0x189: {  	v57 =	vperm.xlane v37, v1  }
0x18a: {  	v38 =	vadd.f32 v38, v42;
	v56 =	vsub.f32 $1.500000000e+00, v39;
	v43 =	vperm.xlane v55, v3  }
0x18b: {  	v37 =	vadd.f32 v37, v57  }
0x18c: {  	v60 =	vperm.xlane v38, v2;
	v36 =	vmul.f32 v51, v56;
	v58 =	vadd.f32 v55, v43  }
0x18d: {  	v59 =	vperm.xlane v37, v2  }
0x18e: {  	v38 =	vadd.f32 v38, v60;
	v40 =	vmul.f32 v36, v35;
	v39 =	vmax.f32 v58, $1.000000020e-24  }
0x18f: {  	v61 =	vshra.s32 v39, $0x1;
	v39 =	vmul.f32 $5.000000000e-01, v39;
	v37 =	vadd.f32 v37, v59  }
0x190: {  	v34 =	vmul.f32 v36, v34;
	v62 =	vmul.f32 v36, v33;
	v35 =	vsub.s32 $0x5F3759DF, v61  }
0x191: {  	[tilespmem:s25+$0x1F0] =	vst v40;
	v39 =	vmul.f32 v35, v39;
	v63 =	vperm.xlane v37, v3  }
0x192: {  	v33 =	vmul.f32 v36, v32;
	[tilespmem:s25+$0x180] =	vst v34;
	v40 =	vperm.xlane v38, v3  }
0x193: {  	s26 =	simm.s32 $0x0;
	s28 =	simm.s32 $0x8400;
	v31 =	vmul.f32 v36, v31;
	[tilespmem:s25+$0x190] =	vst v62;
	v39 =	vmul.f32 v35, v39;
	v37 =	vadd.f32 v37, v63  }
.LBB2_6:
0x194: {  	v34 =	vld [tilespmem:s28+$0x180];
	v32 =	vadd.f32 v38, v40;
	[tilespmem:s25+$0x1A0] =	vst v33;
	v24 =	vmul.f32 v36, v24;
	v25 =	vmul.f32 v36, v25  }
0x195: {  	v23 =	vmul.f32 v36, v23;
	v33 =	vld [tilespmem:s28+$0x190];
	v38 =	vsub.f32 $1.500000000e+00, v39;
	v37 =	vmax.f32 v37, $1.000000020e-24;
	[tilespmem:s25+$0x1B0] =	vst v31  }
0x196: {  	v31 =	vld [tilespmem:s28+$0x1A0];
	v36 =	vmax.f32 v32, $1.000000020e-24;
	v39 =	vshra.s32 v37, $0x1;
	v37 =	vmul.f32 $5.000000000e-01, v37;
	[tilespmem:s25+$0x1C0] =	vst v24  }
0x197: {  	v32 =	vld [tilespmem:s28+$0x1B0];
	v40 =	vshra.s32 v36, $0x1;
	v41 =	vmul.f32 $5.000000000e-01, v36;
	v39 =	vsub.s32 $0x5F3759DF, v39;
	[tilespmem:s25+$0x1D0] =	vst v25  }
0x198: {  	v36 =	vmul.f32 v35, v38;
	v24 =	vld [tilespmem:s28+$0x1C0];
	v40 =	vsub.s32 $0x5F3759DF, v40;
	v35 =	vmul.f32 v39, v37;
	[tilespmem:s25+$0x1E0] =	vst v23  }
0x199: {  	v25 =	vld [tilespmem:s28+$0x1D0];
	v37 =	vmul.f32 v40, v41  }
0x19a: {  	v28 =	vmul.f32 v36, v28;
	v23 =	vld [tilespmem:s28+$0x1E0];
	v38 =	vmul.f32 v39, v35  }
0x19b: {  	s26 =	sadd.s32 $0x4, s26;
	v26 =	vmul.f32 v36, v26;
	v35 =	vld [tilespmem:s28+$0x1F0];
	v37 =	vmul.f32 v40, v37  }
0x19c: {  	p0 =	slt.u32 s26, $0x7C;
	v27 =	vmul.f32 v36, v27;
	v41 =	vld [tilespmem:s28+$0x10];
	[tilespmem:s25+$0x80] =	vst v28;
	v28 =	vmul.f32 v36, v29;
	v29 =	vsub.f32 $1.500000000e+00, v38  }
0x19d: {  	v43 =	vmul.f32 v34, v34;
	v44 =	vmul.f32 v33, v33;
	v42 =	vld [tilespmem:s28+$0x20];
	v37 =	vsub.f32 $1.500000000e+00, v37;
	[tilespmem:s25+$0x90] =	vst v26  }
0x19e: {  	v46 =	vmul.f32 v32, v32;
	v26 =	vmul.f32 v31, v31;
	v45 =	vld [tilespmem:s28+$0x30];
	[tilespmem:s25+$0xA0] =	vst v27  }
0x19f: {  	v27 =	vmul.f32 v24, v24;
	v48 =	vmul.f32 v25, v25;
	v47 =	vld [tilespmem:s28+$0x40];
	[tilespmem:s25+$0xB0] =	vst v28  }
0x1a0: {  	v28 =	vmul.f32 v23, v23;
	v49 =	vld [tilespmem:s28+$0x50];
	v50 =	vmul.f32 v35, v35  }
0x1a1: {  	v43 =	vadd.f32 v44, v43;
	v44 =	vadd.f32 v46, v26;
	v51 =	vld [tilespmem:s28+$0x60];
	v38 =	vmul.f32 v41, v41  }
0x1a2: {  	v27 =	vadd.f32 v48, v27;
	v46 =	vld [tilespmem:s28+$0x70];
	v52 =	vmul.f32 v42, v42;
	v48 =	vadd.f32 v50, v28  }
0x1a3: {  	v40 =	vmul.f32 v40, v37;
	v50 =	vmul.f32 v45, v45;
	v28 =	vld [tilespmem:s28+$0x80]  }
0x1a4: {  	v43 =	vadd.f32 v44, v43;
	v53 =	vmul.f32 v47, v47;
	v26 =	vld [tilespmem:s28+$0x90];
	v44 =	vadd.f32 v48, v27  }
0x1a5: {  	v37 =	vmul.f32 v39, v29;
	v48 =	vmul.f32 v49, v49;
	v50 =	vadd.f32 v50, v52;
	v27 =	vld [tilespmem:s28+$0xA0]  }
0x1a6: {  	v30 =	vmul.f32 v40, v30;
	v39 =	vmul.f32 v51, v51;
	v29 =	vld [tilespmem:s28+$0xB0];
	v43 =	vadd.f32 v44, v43  }
0x1a7: {  	v44 =	vmul.f32 v46, v46;
	v48 =	vadd.f32 v48, v53;
	v52 =	vld [tilespmem:s28+$0xC0];
	v53 =	vmul.f32 v40, v8;
	v8 =	vmovc v41  }
0x1a8: {  	v41 =	vld [tilespmem:s28+$0xD0];
	v54 =	vmul.f32 v28, v28;
	v55 =	vperm.xlane v43, v0;
	[tilespmem:s25+$0x0] =	vst v30  }
0x1a9: {  	v30 =	vadd.f32 v44, v39;
	v39 =	vld [tilespmem:s28+$0xE0];
	v44 =	vmul.f32 v26, v26;
	[tilespmem:s25+$0x10] =	vst v53;
	v53 =	vmul.f32 v40, v9  }
0x1aa: {  	v58 =	vmul.f32 v40, v13;
	v9 =	vmovc v42;
	v56 =	vld [tilespmem:s28+$0xF0];
	v57 =	vmul.f32 v27, v27;
	v43 =	vadd.f32 v43, v55  }
0x1ab: {  	v42 =	vadd.f32 v30, v48;
	v30 =	vmul.f32 v29, v29;
	v44 =	vadd.f32 v44, v54;
	v48 =	vld [tilespmem:s28+$0x100];
	[tilespmem:s25+$0x20] =	vst v53  }
0x1ac: {  	v13 =	vmov v45;
	v53 =	vmul.f32 v52, v52;
	v54 =	vld [tilespmem:s28+$0x110];
	v55 =	vperm.xlane v43, v1;
	[tilespmem:s25+$0x30] =	vst v58  }
0x1ad: {  	v58 =	vmul.f32 v40, v4;
	v4 =	vmovc v47;
	v45 =	vmul.f32 v41, v41;
	v30 =	vadd.f32 v30, v57;
	v57 =	vld [tilespmem:s28+$0x120]  }
0x1ae: {  	v47 =	vmul.f32 v39, v39;
	v59 =	vld [tilespmem:s28+$0x130];
	v43 =	vadd.f32 v43, v55;
	v55 =	vmul.f32 v40, v5;
	v5 =	vmovc v49  }
0x1af: {  	v49 =	vmul.f32 v56, v56;
	v45 =	vadd.f32 v45, v53;
	v44 =	vadd.f32 v30, v44;
	v53 =	vld [tilespmem:s28+$0x140];
	[tilespmem:s25+$0x40] =	vst v58  }
0x1b0: {  	v58 =	vld [tilespmem:s28+$0x150];
	v60 =	vmul.f32 v48, v48;
	v30 =	vperm.xlane v43, v2;
	[tilespmem:s25+$0x50] =	vst v55  }
0x1b1: {  	v61 =	vmul.f32 v40, v6;
	v6 =	vmovc v51;
	v47 =	vadd.f32 v49, v47;
	v49 =	vld [tilespmem:s28+$0x160];
	v55 =	vmul.f32 v54, v54  }
0x1b2: {  	v40 =	vmul.f32 v40, v7;
	v7 =	vmovc v46;
	v51 =	vld [tilespmem:s28+$0x170];
	v62 =	vmul.f32 v57, v57;
	v43 =	vadd.f32 v43, v30  }
0x1b3: {  	v30 =	vld [tilespmem:s28+$0x0];
	v45 =	vadd.f32 v47, v45;
	v46 =	vmul.f32 v59, v59;
	v47 =	vadd.f32 v55, v60;
	[tilespmem:s25+$0x60] =	vst v61  }
0x1b4: {  	v55 =	vmul.f32 v53, v53;
	v60 =	vperm.xlane v43, v3;
	[tilespmem:s25+$0x70] =	vst v40  }
0x1b5: {  	v40 =	vadd.f32 v45, v44;
	v44 =	vmul.f32 v58, v58;
	v45 =	vadd.f32 v46, v62  }
0x1b6: {  	v46 =	vmul.f32 v49, v49;
	v43 =	vadd.f32 v43, v60;
	v60 =	vmul.f32 v36, v10;
	v10 =	vmovc v52  }
0x1b7: {  	v52 =	vmul.f32 v51, v51;
	v44 =	vadd.f32 v44, v55;
	v45 =	vadd.f32 v45, v47  }
0x1b8: {  	v55 =	vperm.xlane v40, v0;
	v47 =	vmul.f32 v30, v30;
	v43 =	vmax.f32 v43, $1.000000020e-24;
	[tilespmem:s25+$0xC0] =	vst v60  }
0x1b9: {  	v46 =	vadd.f32 v52, v46;
	v52 =	vshra.s32 v43, $0x1;
	v43 =	vmul.f32 $5.000000000e-01, v43  }
0x1ba: {  	v40 =	vadd.f32 v40, v55;
	v38 =	vadd.f32 v38, v47;
	v47 =	vsub.s32 $0x5F3759DF, v52  }
0x1bb: {  	v44 =	vadd.f32 v46, v44;
	v43 =	vmul.f32 v47, v43;
	v46 =	vmul.f32 v36, v11;
	v11 =	vmovc v41  }
0x1bc: {  	v41 =	vperm.xlane v40, v1;
	v38 =	vadd.f32 v50, v38;
	v50 =	vmul.f32 v36, v12;
	v12 =	vmovc v39  }
0x1bd: {  	v39 =	vadd.f32 v44, v45;
	v43 =	vmul.f32 v47, v43;
	[tilespmem:s25+$0xD0] =	vst v46;
	v44 =	vmul.f32 v36, v16  }
0x1be: {  	v40 =	vadd.f32 v40, v41;
	v45 =	vmul.f32 v37, v17;
	v38 =	vadd.f32 v42, v38;
	[tilespmem:s25+$0xE0] =	vst v50  }
0x1bf: {  	v16 =	vmovc v56;
	v42 =	vmul.f32 v37, v14;
	v36 =	vperm.xlane v39, v0;
	v41 =	vsub.f32 $1.500000000e+00, v43;
	[tilespmem:s25+$0xF0] =	vst v44  }
0x1c0: {  	v17 =	vmovc v48;
	v14 =	vmov v54;
	v44 =	vperm.xlane v40, v2;
	v43 =	vperm.xlane v38, v0;
	[tilespmem:s25+$0x100] =	vst v45  }
0x1c1: {  	v39 =	vadd.f32 v39, v36;
	v36 =	vmul.f32 v47, v41;
	[tilespmem:s25+$0x110] =	vst v42;
	v41 =	vmul.f32 v37, v15  }
0x1c2: {  	v40 =	vadd.f32 v40, v44;
	v42 =	vmul.f32 v37, v18;
	v15 =	vmovc v57;
	v38 =	vadd.f32 v38, v43  }
0x1c3: {  	v18 =	vmov v59;
	v43 =	vperm.xlane v39, v1;
	v35 =	vmul.f32 v36, v35;
	[tilespmem:s25+$0x120] =	vst v41  }
0x1c4: {  	v44 =	vperm.xlane v40, v3;
	v41 =	vperm.xlane v38, v1;
	[tilespmem:s25+$0x130] =	vst v42  }
0x1c5: {  	v42 =	vmul.f32 v37, v20;
	v39 =	vadd.f32 v39, v43;
	[tilespmem:s28+$0x1F0] =	vst v35;
	v35 =	vmul.f32 v37, v19  }
0x1c6: {  	v40 =	vadd.f32 v40, v44;
	v19 =	vmovc v53;
	v38 =	vadd.f32 v38, v41;
	v41 =	vmul.f32 v37, v21  }
0x1c7: {  	v20 =	vmovc v58;
	v37 =	vmul.f32 v37, v22;
	v21 =	vmov v49;
	v43 =	vperm.xlane v39, v2;
	[tilespmem:s25+$0x140] =	vst v35  }
0x1c8: {  	v34 =	vmul.f32 v36, v34;
	v22 =	vmovc v51;
	v40 =	vmax.f32 v40, $1.000000020e-24;
	v35 =	vperm.xlane v38, v2;
	[tilespmem:s25+$0x150] =	vst v42  }
.Ltmp2:
0x1c9: {  	v42 =	vshra.s32 v40, $0x1;
	v40 =	vmul.f32 $5.000000000e-01, v40;
	v43 =	vadd.f32 v39, v43;
	[tilespmem:s25+$0x160] =	vst v41;
	(pc) =	sbr.rel @p0 .LBB2_6-.Ltmp2, $4  }
0x1ca: {  	v33 =	vmul.f32 v36, v33;
	v38 =	vadd.f32 v38, v35;
	v35 =	vsub.s32 $0x5F3759DF, v42;
	[tilespmem:s25+$0x170] =	vst v37;
	s25 =	smov.u32 s28  }
0x1cb: {  	v37 =	vmul.f32 v35, v40;
	v41 =	vperm.xlane v43, v3;
	[tilespmem:s28+$0x180] =	vst v34  }
0x1cc: {  	v40 =	vperm.xlane v38, v3;
	[tilespmem:s28+$0x190] =	vst v33;
	v33 =	vmul.f32 v36, v31  }
0x1cd: {  	v31 =	vmul.f32 v36, v32;
	s28 =	sadd.s32 $0x200, s28;
	v39 =	vmul.f32 v35, v37;
	v37 =	vadd.f32 v43, v41  }
0x1ce: {  	v32 =	vadd.f32 v38, v40;
	_ =	sdelay $0x1  }
0x1cf: {  	v32 =	vmax.f32 v32, $1.000000020e-24  }
0x1d0: {  	v34 =	vshra.s32 v32, $0x1;
	v32 =	vmul.f32 $5.000000000e-01, v32  }
0x1d1: {  	v34 =	vsub.s32 $0x5F3759DF, v34  }
0x1d2: {  	v61 =	vsub.f32 $1.500000000e+00, v39;
	v32 =	vmul.f32 v34, v32  }
0x1d3: {  	[tilespmem:s25+$0x1A0] =	vst v33;
	v24 =	vmul.f32 v36, v24;
	v25 =	vmul.f32 v36, v25  }
0x1d4: {  	[tilespmem:s25+$0x1B0] =	vst v31;
	v31 =	vmul.f32 v35, v61;
	v32 =	vmul.f32 v34, v32  }
0x1d5: {  	v23 =	vmul.f32 v36, v23;
	[tilespmem:s25+$0x1C0] =	vst v24  }
0x1d6: {  	[tilespmem:s25+$0x1D0] =	vst v25;
	v24 =	vmul.f32 v31, v28;
	v25 =	vsub.f32 $1.500000000e+00, v32  }
0x1d7: {  	[tilespmem:s25+$0x1E0] =	vst v23;
	v23 =	vmul.f32 v31, v26  }
0x1d8: {  	v26 =	vmul.f32 v31, v29;
	[tilespmem:s25+$0x80] =	vst v24;
	v25 =	vmul.f32 v34, v25  }
0x1d9: {  	v24 =	vmul.f32 v31, v27;
	[tilespmem:s25+$0x90] =	vst v23  }
0x1da: {  	[tilespmem:s25+$0xB0] =	vst v26;
	v23 =	vmul.f32 v25, v30  }
0x1db: {  	[tilespmem:s25+$0xA0] =	vst v24;
	v24 =	vmax.f32 v37, $1.000000020e-24;
	v8 =	vmul.f32 v25, v8  }
0x1dc: {  	v26 =	vshra.s32 v24, $0x1;
	v24 =	vmul.f32 $5.000000000e-01, v24;
	v9 =	vmul.f32 v25, v9;
	[tilespmem:s25+$0x0] =	vst v23  }
0x1dd: {  	v4 =	vmul.f32 v25, v4;
	v23 =	vsub.s32 $0x5F3759DF, v26;
	[tilespmem:s25+$0x10] =	vst v8  }
0x1de: {  	v8 =	vmul.f32 v25, v13;
	[tilespmem:s25+$0x20] =	vst v9;
	v13 =	vmul.f32 v23, v24  }
0x1df: {  	v5 =	vmul.f32 v25, v5;
	[tilespmem:s25+$0x40] =	vst v4  }
0x1e0: {  	v4 =	vmul.f32 v25, v6;
	[tilespmem:s25+$0x30] =	vst v8;
	v8 =	vmul.f32 v23, v13  }
0x1e1: {  	[tilespmem:s25+$0x50] =	vst v5;
	v5 =	vmul.f32 v25, v7  }
0x1e2: {  	[tilespmem:s25+$0x60] =	vst v4;
	v4 =	vmul.f32 v31, v10;
	v6 =	vsub.f32 $1.500000000e+00, v8  }
0x1e3: {  	[tilespmem:s25+$0x70] =	vst v5;
	v5 =	vmul.f32 v31, v11  }
0x1e4: {  	[tilespmem:s25+$0xC0] =	vst v4;
	v4 =	vmul.f32 v31, v12;
	v6 =	vmul.f32 v23, v6  }
0x1e5: {  	[tilespmem:s25+$0xD0] =	vst v5;
	v5 =	vmul.f32 v31, v16  }
0x1e6: {  	[tilespmem:s25+$0xE0] =	vst v4;
	v4 =	vmul.f32 v6, v17  }
0x1e7: {  	[tilespmem:s25+$0xF0] =	vst v5;
	v5 =	vmul.f32 v6, v14  }
0x1e8: {  	v7 =	vmul.f32 v6, v21;
	[tilespmem:s25+$0x100] =	vst v4  }
0x1e9: {  	v4 =	vmul.f32 v6, v15;
	[tilespmem:s25+$0x110] =	vst v5  }
0x1ea: {  	v5 =	vmul.f32 v6, v18;
	[tilespmem:s25+$0x160] =	vst v7  }
0x1eb: {  	[tilespmem:s25+$0x120] =	vst v4;
	v4 =	vmul.f32 v6, v19  }
0x1ec: {  	[tilespmem:s25+$0x130] =	vst v5;
	v5 =	vmul.f32 v6, v20  }
0x1ed: {  	[tilespmem:s25+$0x140] =	vst v4;
	v4 =	vmul.f32 v6, v22  }
0x1ee: {  	[tilespmem:s25+$0x150] =	vst v5  }
0x1ef: {  	[tilespmem:s25+$0x170] =	vst v4  }
0x1f0: {  	[hbm4b:s8+s2] =	stream.linear.scatter [tilespmem:s16], [sflag:$0x5], $0x4000, $0x38;
	[tilespmem:$0x10200] =	vst v63  }
0x1f1: {  	_ =	swait.ge [sflag:s22], $0x4000  }
0x1f2: {  	[sflag:s22] =	ssyncset.done $0x0  }
0x1f3: {  	s25 =	simm.s32 $0xC200;
	[sflag:s22] =	ssyncadd.s32 $0xFFFFC000  }
0x1f4: {  	v34 =	vld [tilespmem:s25+$0x180]  }
0x1f5: {  	v33 =	vld [tilespmem:s25+$0x190]  }
0x1f6: {  	v32 =	vld [tilespmem:s25+$0x1A0]  }
0x1f7: {  	v31 =	vld [tilespmem:s25+$0x1B0]  }
0x1f8: {  	v24 =	vld [tilespmem:s25+$0x1C0]  }
0x1f9: {  	v25 =	vld [tilespmem:s25+$0x1D0]  }
0x1fa: {  	v23 =	vld [tilespmem:s25+$0x1E0]  }
0x1fb: {  	v35 =	vld [tilespmem:s25+$0x1F0]  }
0x1fc: {  	v8 =	vld [tilespmem:s25+$0x10]  }
0x1fd: {  	v4 =	vld [tilespmem:s25+$0x40]  }
0x1fe: {  	v5 =	vld [tilespmem:s25+$0x50]  }
0x1ff: {  	v6 =	vld [tilespmem:s25+$0x60]  }
0x200: {  	v7 =	vld [tilespmem:s25+$0x70];
	v10 =	vmul.f32 v34, v34  }
0x201: {  	v28 =	vld [tilespmem:s25+$0x80];
	v11 =	vmul.f32 v33, v33;
	v12 =	vmul.f32 v32, v32  }
0x202: {  	v27 =	vld [tilespmem:s25+$0xA0];
	v14 =	vmul.f32 v31, v31;
	v15 =	vmul.f32 v24, v24  }
0x203: {  	v29 =	vld [tilespmem:s25+$0xB0];
	v16 =	vmul.f32 v25, v25;
	v17 =	vmul.f32 v23, v23  }
0x204: {  	v26 =	vld [tilespmem:s25+$0x90];
	v18 =	vmul.f32 v35, v35;
	v20 =	vmul.f32 v5, v5  }
0x205: {  	v9 =	vld [tilespmem:s25+$0x20];
	v22 =	vmul.f32 v6, v6;
	v30 =	vmul.f32 v7, v7  }
0x206: {  	v13 =	vld [tilespmem:s25+$0x30];
	v62 =	vmul.f32 v28, v28;
	v10 =	vadd.f32 v11, v10;
	v11 =	vadd.f32 v14, v12  }
0x207: {  	v63 =	vmul.f32 v27, v27;
	v12 =	vadd.f32 v16, v15;
	v14 =	vadd.f32 v18, v17;
	v16 =	vld [tilespmem:s25+$0xF0]  }
0x208: {  	v48 =	vmul.f32 v29, v29;
	v15 =	vmul.f32 v4, v4;
	v17 =	vld [tilespmem:s25+$0x100];
	v22 =	vadd.f32 v30, v22  }
0x209: {  	v30 =	vmul.f32 v26, v26;
	v11 =	vadd.f32 v11, v10;
	v12 =	vadd.f32 v14, v12;
	v10 =	vld [tilespmem:s25+$0xC0]  }
0x20a: {  	v50 =	vadd.f32 v48, v63;
	v20 =	vadd.f32 v20, v15;
	v15 =	vld [tilespmem:s25+$0x120]  }
0x20b: {  	v30 =	vadd.f32 v30, v62;
	v14 =	vadd.f32 v12, v11;
	v11 =	vld [tilespmem:s25+$0xD0]  }
0x20c: {  	v19 =	vmul.f32 v13, v13;
	v18 =	vmul.f32 v9, v9;
	v12 =	vld [tilespmem:s25+$0xE0]  }
0x20d: {  	v36 =	vadd.f32 v50, v30;
	v30 =	vld [tilespmem:s25+$0x0];
	v21 =	vperm.xlane v14, v0  }
0x20e: {  	v38 =	vadd.f32 v19, v18;
	v18 =	vld [tilespmem:s25+$0x130]  }
0x20f: {  	v19 =	vld [tilespmem:s25+$0x140];
	v44 =	vmul.f32 v16, v16;
	v21 =	vadd.f32 v14, v21  }
0x210: {  	v41 =	vadd.f32 v22, v20;
	v22 =	vmul.f32 v10, v10;
	v14 =	vld [tilespmem:s25+$0x110];
	v42 =	vmul.f32 v11, v11  }
0x211: {  	v20 =	vld [tilespmem:s25+$0x150];
	v43 =	vmul.f32 v12, v12;
	v49 =	vperm.xlane v21, v1  }
0x212: {  	v45 =	vmul.f32 v8, v8;
	v62 =	vmul.f32 v30, v30;
	v51 =	vadd.f32 v42, v22;
	v22 =	vld [tilespmem:s25+$0x170]  }
0x213: {  	v53 =	vadd.f32 v44, v43;
	v40 =	vadd.f32 v21, v49;
	v21 =	vld [tilespmem:s25+$0x160]  }
0x214: {  	v54 =	vmul.f32 v17, v17;
	v46 =	vmul.f32 v15, v15;
	v44 =	vadd.f32 v45, v62  }
0x215: {  	v56 =	vmul.f32 v18, v18;
	v55 =	vmul.f32 v14, v14;
	v37 =	vadd.f32 v53, v51  }
0x216: {  	v58 =	vmul.f32 v19, v19;
	v38 =	vadd.f32 v38, v44;
	v52 =	vperm.xlane v40, v2  }
0x217: {  	v60 =	vmul.f32 v20, v20;
	v57 =	vadd.f32 v55, v54;
	v36 =	vadd.f32 v37, v36  }
0x218: {  	v39 =	vadd.f32 v40, v52;
	v47 =	vmul.f32 v22, v22;
	v61 =	vmul.f32 v21, v21  }
0x219: {  	v37 =	vadd.f32 v60, v58;
	v40 =	vadd.f32 v56, v46;
	v48 =	vperm.xlane v36, v0  }
0x21a: {  	v38 =	vadd.f32 v41, v38;
	v59 =	vperm.xlane v39, v3;
	v63 =	vadd.f32 v47, v61  }
0x21b: {  	v40 =	vadd.f32 v40, v57;
	v36 =	vadd.f32 v36, v48  }
0x21c: {  	v39 =	vadd.f32 v39, v59;
	v37 =	vadd.f32 v63, v37  }
0x21d: {  	v49 =	vperm.xlane v36, v1  }
0x21e: {  	v53 =	vperm.xlane v38, v0;
	v39 =	vmax.f32 v39, $1.000000020e-24;
	v37 =	vadd.f32 v37, v40  }
0x21f: {  	v50 =	vshra.s32 v39, $0x1;
	v39 =	vmul.f32 $5.000000000e-01, v39;
	v36 =	vadd.f32 v36, v49  }
0x220: {  	v51 =	vsub.s32 $0x5F3759DF, v50;
	v52 =	vperm.xlane v37, v0  }
0x221: {  	v38 =	vadd.f32 v38, v53;
	v39 =	vmul.f32 v51, v39;
	v54 =	vperm.xlane v36, v2  }
0x222: {  	v37 =	vadd.f32 v37, v52  }
0x223: {  	v42 =	vperm.xlane v38, v1;
	v39 =	vmul.f32 v51, v39;
	v55 =	vadd.f32 v36, v54  }
0x224: {  	v57 =	vperm.xlane v37, v1  }
0x225: {  	v38 =	vadd.f32 v38, v42;
	v56 =	vsub.f32 $1.500000000e+00, v39;
	v43 =	vperm.xlane v55, v3  }
0x226: {  	v37 =	vadd.f32 v37, v57  }
0x227: {  	v60 =	vperm.xlane v38, v2;
	v36 =	vmul.f32 v51, v56;
	v58 =	vadd.f32 v55, v43  }
0x228: {  	v59 =	vperm.xlane v37, v2  }
0x229: {  	v38 =	vadd.f32 v38, v60;
	v40 =	vmul.f32 v36, v35;
	v39 =	vmax.f32 v58, $1.000000020e-24  }
0x22a: {  	v61 =	vshra.s32 v39, $0x1;
	v39 =	vmul.f32 $5.000000000e-01, v39;
	v37 =	vadd.f32 v37, v59  }
0x22b: {  	v34 =	vmul.f32 v36, v34;
	v62 =	vmul.f32 v36, v33;
	v35 =	vsub.s32 $0x5F3759DF, v61  }
0x22c: {  	[tilespmem:s25+$0x1F0] =	vst v40;
	v39 =	vmul.f32 v35, v39;
	v63 =	vperm.xlane v37, v3  }
0x22d: {  	v33 =	vmul.f32 v36, v32;
	[tilespmem:s25+$0x180] =	vst v34;
	v40 =	vperm.xlane v38, v3  }
0x22e: {  	s26 =	simm.s32 $0x0;
	s28 =	simm.s32 $0xC400;
	v31 =	vmul.f32 v36, v31;
	[tilespmem:s25+$0x190] =	vst v62;
	v39 =	vmul.f32 v35, v39;
	v37 =	vadd.f32 v37, v63  }
.LBB2_8:
0x22f: {  	v34 =	vld [tilespmem:s28+$0x180];
	v32 =	vadd.f32 v38, v40;
	[tilespmem:s25+$0x1A0] =	vst v33;
	v24 =	vmul.f32 v36, v24;
	v25 =	vmul.f32 v36, v25  }
0x230: {  	v23 =	vmul.f32 v36, v23;
	v33 =	vld [tilespmem:s28+$0x190];
	v38 =	vsub.f32 $1.500000000e+00, v39;
	v37 =	vmax.f32 v37, $1.000000020e-24;
	[tilespmem:s25+$0x1B0] =	vst v31  }
0x231: {  	v31 =	vld [tilespmem:s28+$0x1A0];
	v36 =	vmax.f32 v32, $1.000000020e-24;
	v39 =	vshra.s32 v37, $0x1;
	v37 =	vmul.f32 $5.000000000e-01, v37;
	[tilespmem:s25+$0x1C0] =	vst v24  }
0x232: {  	v32 =	vld [tilespmem:s28+$0x1B0];
	v40 =	vshra.s32 v36, $0x1;
	v41 =	vmul.f32 $5.000000000e-01, v36;
	v39 =	vsub.s32 $0x5F3759DF, v39;
	[tilespmem:s25+$0x1D0] =	vst v25  }
0x233: {  	v36 =	vmul.f32 v35, v38;
	v24 =	vld [tilespmem:s28+$0x1C0];
	v40 =	vsub.s32 $0x5F3759DF, v40;
	v35 =	vmul.f32 v39, v37;
	[tilespmem:s25+$0x1E0] =	vst v23  }
0x234: {  	v25 =	vld [tilespmem:s28+$0x1D0];
	v37 =	vmul.f32 v40, v41  }
0x235: {  	v28 =	vmul.f32 v36, v28;
	v23 =	vld [tilespmem:s28+$0x1E0];
	v38 =	vmul.f32 v39, v35  }
0x236: {  	s26 =	sadd.s32 $0x4, s26;
	v26 =	vmul.f32 v36, v26;
	v35 =	vld [tilespmem:s28+$0x1F0];
	v37 =	vmul.f32 v40, v37  }
0x237: {  	p0 =	slt.u32 s26, $0x7C;
	v27 =	vmul.f32 v36, v27;
	v41 =	vld [tilespmem:s28+$0x10];
	[tilespmem:s25+$0x80] =	vst v28;
	v28 =	vmul.f32 v36, v29;
	v29 =	vsub.f32 $1.500000000e+00, v38  }
0x238: {  	v43 =	vmul.f32 v34, v34;
	v44 =	vmul.f32 v33, v33;
	v42 =	vld [tilespmem:s28+$0x20];
	v37 =	vsub.f32 $1.500000000e+00, v37;
	[tilespmem:s25+$0x90] =	vst v26  }
0x239: {  	v46 =	vmul.f32 v32, v32;
	v26 =	vmul.f32 v31, v31;
	v45 =	vld [tilespmem:s28+$0x30];
	[tilespmem:s25+$0xA0] =	vst v27  }
0x23a: {  	v27 =	vmul.f32 v24, v24;
	v48 =	vmul.f32 v25, v25;
	v47 =	vld [tilespmem:s28+$0x40];
	[tilespmem:s25+$0xB0] =	vst v28  }
0x23b: {  	v28 =	vmul.f32 v23, v23;
	v49 =	vld [tilespmem:s28+$0x50];
	v50 =	vmul.f32 v35, v35  }
0x23c: {  	v43 =	vadd.f32 v44, v43;
	v44 =	vadd.f32 v46, v26;
	v51 =	vld [tilespmem:s28+$0x60];
	v38 =	vmul.f32 v41, v41  }
0x23d: {  	v27 =	vadd.f32 v48, v27;
	v46 =	vld [tilespmem:s28+$0x70];
	v52 =	vmul.f32 v42, v42;
	v48 =	vadd.f32 v50, v28  }
0x23e: {  	v40 =	vmul.f32 v40, v37;
	v50 =	vmul.f32 v45, v45;
	v28 =	vld [tilespmem:s28+$0x80]  }
0x23f: {  	v43 =	vadd.f32 v44, v43;
	v53 =	vmul.f32 v47, v47;
	v26 =	vld [tilespmem:s28+$0x90];
	v44 =	vadd.f32 v48, v27  }
0x240: {  	v37 =	vmul.f32 v39, v29;
	v48 =	vmul.f32 v49, v49;
	v50 =	vadd.f32 v50, v52;
	v27 =	vld [tilespmem:s28+$0xA0]  }
0x241: {  	v30 =	vmul.f32 v40, v30;
	v39 =	vmul.f32 v51, v51;
	v29 =	vld [tilespmem:s28+$0xB0];
	v43 =	vadd.f32 v44, v43  }
0x242: {  	v44 =	vmul.f32 v46, v46;
	v48 =	vadd.f32 v48, v53;
	v52 =	vld [tilespmem:s28+$0xC0];
	v53 =	vmul.f32 v40, v8;
	v8 =	vmovc v41  }
0x243: {  	v41 =	vld [tilespmem:s28+$0xD0];
	v54 =	vmul.f32 v28, v28;
	v55 =	vperm.xlane v43, v0;
	[tilespmem:s25+$0x0] =	vst v30  }
0x244: {  	v30 =	vadd.f32 v44, v39;
	v39 =	vld [tilespmem:s28+$0xE0];
	v44 =	vmul.f32 v26, v26;
	[tilespmem:s25+$0x10] =	vst v53;
	v53 =	vmul.f32 v40, v9  }
0x245: {  	v58 =	vmul.f32 v40, v13;
	v9 =	vmovc v42;
	v56 =	vld [tilespmem:s28+$0xF0];
	v57 =	vmul.f32 v27, v27;
	v43 =	vadd.f32 v43, v55  }
0x246: {  	v42 =	vadd.f32 v30, v48;
	v30 =	vmul.f32 v29, v29;
	v44 =	vadd.f32 v44, v54;
	v48 =	vld [tilespmem:s28+$0x100];
	[tilespmem:s25+$0x20] =	vst v53  }
0x247: {  	v13 =	vmov v45;
	v53 =	vmul.f32 v52, v52;
	v54 =	vld [tilespmem:s28+$0x110];
	v55 =	vperm.xlane v43, v1;
	[tilespmem:s25+$0x30] =	vst v58  }
0x248: {  	v58 =	vmul.f32 v40, v4;
	v4 =	vmovc v47;
	v45 =	vmul.f32 v41, v41;
	v30 =	vadd.f32 v30, v57;
	v57 =	vld [tilespmem:s28+$0x120]  }
0x249: {  	v47 =	vmul.f32 v39, v39;
	v59 =	vld [tilespmem:s28+$0x130];
	v43 =	vadd.f32 v43, v55;
	v55 =	vmul.f32 v40, v5;
	v5 =	vmovc v49  }
0x24a: {  	v49 =	vmul.f32 v56, v56;
	v45 =	vadd.f32 v45, v53;
	v44 =	vadd.f32 v30, v44;
	v53 =	vld [tilespmem:s28+$0x140];
	[tilespmem:s25+$0x40] =	vst v58  }
0x24b: {  	v58 =	vld [tilespmem:s28+$0x150];
	v60 =	vmul.f32 v48, v48;
	v30 =	vperm.xlane v43, v2;
	[tilespmem:s25+$0x50] =	vst v55  }
0x24c: {  	v61 =	vmul.f32 v40, v6;
	v6 =	vmovc v51;
	v47 =	vadd.f32 v49, v47;
	v49 =	vld [tilespmem:s28+$0x160];
	v55 =	vmul.f32 v54, v54  }
0x24d: {  	v40 =	vmul.f32 v40, v7;
	v7 =	vmovc v46;
	v51 =	vld [tilespmem:s28+$0x170];
	v62 =	vmul.f32 v57, v57;
	v43 =	vadd.f32 v43, v30  }
0x24e: {  	v30 =	vld [tilespmem:s28+$0x0];
	v45 =	vadd.f32 v47, v45;
	v46 =	vmul.f32 v59, v59;
	v47 =	vadd.f32 v55, v60;
	[tilespmem:s25+$0x60] =	vst v61  }
0x24f: {  	v55 =	vmul.f32 v53, v53;
	v60 =	vperm.xlane v43, v3;
	[tilespmem:s25+$0x70] =	vst v40  }
0x250: {  	v40 =	vadd.f32 v45, v44;
	v44 =	vmul.f32 v58, v58;
	v45 =	vadd.f32 v46, v62  }
0x251: {  	v46 =	vmul.f32 v49, v49;
	v43 =	vadd.f32 v43, v60;
	v60 =	vmul.f32 v36, v10;
	v10 =	vmovc v52  }
0x252: {  	v52 =	vmul.f32 v51, v51;
	v44 =	vadd.f32 v44, v55;
	v45 =	vadd.f32 v45, v47  }
0x253: {  	v55 =	vperm.xlane v40, v0;
	v47 =	vmul.f32 v30, v30;
	v43 =	vmax.f32 v43, $1.000000020e-24;
	[tilespmem:s25+$0xC0] =	vst v60  }
0x254: {  	v46 =	vadd.f32 v52, v46;
	v52 =	vshra.s32 v43, $0x1;
	v43 =	vmul.f32 $5.000000000e-01, v43  }
0x255: {  	v40 =	vadd.f32 v40, v55;
	v38 =	vadd.f32 v38, v47;
	v47 =	vsub.s32 $0x5F3759DF, v52  }
0x256: {  	v44 =	vadd.f32 v46, v44;
	v43 =	vmul.f32 v47, v43;
	v46 =	vmul.f32 v36, v11;
	v11 =	vmovc v41  }
0x257: {  	v41 =	vperm.xlane v40, v1;
	v38 =	vadd.f32 v50, v38;
	v50 =	vmul.f32 v36, v12;
	v12 =	vmovc v39  }
0x258: {  	v39 =	vadd.f32 v44, v45;
	v43 =	vmul.f32 v47, v43;
	[tilespmem:s25+$0xD0] =	vst v46;
	v44 =	vmul.f32 v36, v16  }
0x259: {  	v40 =	vadd.f32 v40, v41;
	v45 =	vmul.f32 v37, v17;
	v38 =	vadd.f32 v42, v38;
	[tilespmem:s25+$0xE0] =	vst v50  }
0x25a: {  	v16 =	vmovc v56;
	v42 =	vmul.f32 v37, v14;
	v36 =	vperm.xlane v39, v0;
	v41 =	vsub.f32 $1.500000000e+00, v43;
	[tilespmem:s25+$0xF0] =	vst v44  }
0x25b: {  	v17 =	vmovc v48;
	v14 =	vmov v54;
	v44 =	vperm.xlane v40, v2;
	v43 =	vperm.xlane v38, v0;
	[tilespmem:s25+$0x100] =	vst v45  }
0x25c: {  	v39 =	vadd.f32 v39, v36;
	v36 =	vmul.f32 v47, v41;
	[tilespmem:s25+$0x110] =	vst v42;
	v41 =	vmul.f32 v37, v15  }
0x25d: {  	v40 =	vadd.f32 v40, v44;
	v42 =	vmul.f32 v37, v18;
	v15 =	vmovc v57;
	v38 =	vadd.f32 v38, v43  }
0x25e: {  	v18 =	vmov v59;
	v43 =	vperm.xlane v39, v1;
	v35 =	vmul.f32 v36, v35;
	[tilespmem:s25+$0x120] =	vst v41  }
0x25f: {  	v44 =	vperm.xlane v40, v3;
	v41 =	vperm.xlane v38, v1;
	[tilespmem:s25+$0x130] =	vst v42  }
0x260: {  	v42 =	vmul.f32 v37, v20;
	v39 =	vadd.f32 v39, v43;
	[tilespmem:s28+$0x1F0] =	vst v35;
	v35 =	vmul.f32 v37, v19  }
0x261: {  	v40 =	vadd.f32 v40, v44;
	v19 =	vmovc v53;
	v38 =	vadd.f32 v38, v41;
	v41 =	vmul.f32 v37, v21  }
0x262: {  	v20 =	vmovc v58;
	v37 =	vmul.f32 v37, v22;
	v21 =	vmov v49;
	v43 =	vperm.xlane v39, v2;
	[tilespmem:s25+$0x140] =	vst v35  }
0x263: {  	v34 =	vmul.f32 v36, v34;
	v22 =	vmovc v51;
	v40 =	vmax.f32 v40, $1.000000020e-24;
	v35 =	vperm.xlane v38, v2;
	[tilespmem:s25+$0x150] =	vst v42  }
.Ltmp3:
0x264: {  	v42 =	vshra.s32 v40, $0x1;
	v40 =	vmul.f32 $5.000000000e-01, v40;
	v43 =	vadd.f32 v39, v43;
	[tilespmem:s25+$0x160] =	vst v41;
	(pc) =	sbr.rel @p0 .LBB2_8-.Ltmp3, $4  }
0x265: {  	v33 =	vmul.f32 v36, v33;
	v38 =	vadd.f32 v38, v35;
	v35 =	vsub.s32 $0x5F3759DF, v42;
	[tilespmem:s25+$0x170] =	vst v37;
	s25 =	smov.u32 s28  }
0x266: {  	v37 =	vmul.f32 v35, v40;
	v41 =	vperm.xlane v43, v3;
	[tilespmem:s28+$0x180] =	vst v34  }
0x267: {  	v40 =	vperm.xlane v38, v3;
	[tilespmem:s28+$0x190] =	vst v33;
	v33 =	vmul.f32 v36, v31  }
0x268: {  	v31 =	vmul.f32 v36, v32;
	s28 =	sadd.s32 $0x200, s28;
	v39 =	vmul.f32 v35, v37;
	v37 =	vadd.f32 v43, v41  }
0x269: {  	v32 =	vadd.f32 v38, v40;
	_ =	sdelay $0x1  }
0x26a: {  	v32 =	vmax.f32 v32, $1.000000020e-24  }
0x26b: {  	v34 =	vshra.s32 v32, $0x1;
	v32 =	vmul.f32 $5.000000000e-01, v32  }
0x26c: {  	v34 =	vsub.s32 $0x5F3759DF, v34  }
0x26d: {  	v48 =	vsub.f32 $1.500000000e+00, v39;
	v32 =	vmul.f32 v34, v32  }
0x26e: {  	[tilespmem:s25+$0x1A0] =	vst v33;
	v24 =	vmul.f32 v36, v24;
	v25 =	vmul.f32 v36, v25  }
0x26f: {  	[tilespmem:s25+$0x1B0] =	vst v31;
	v49 =	vmul.f32 v35, v48;
	v32 =	vmul.f32 v34, v32  }
0x270: {  	v23 =	vmul.f32 v36, v23;
	[tilespmem:s25+$0x1C0] =	vst v24  }
0x271: {  	[tilespmem:s25+$0x1D0] =	vst v25;
	v50 =	vmul.f32 v49, v28;
	v51 =	vsub.f32 $1.500000000e+00, v32  }
0x272: {  	[tilespmem:s25+$0x1E0] =	vst v23;
	v52 =	vmul.f32 v49, v26  }
0x273: {  	v53 =	vmul.f32 v49, v27;
	[tilespmem:s25+$0x80] =	vst v50;
	v25 =	vmul.f32 v34, v51  }
0x274: {  	v56 =	vmax.f32 v37, $1.000000020e-24;
	v54 =	vmul.f32 v49, v29;
	[tilespmem:s25+$0x90] =	vst v52  }
0x275: {  	v57 =	vshra.s32 v56, $0x1;
	v24 =	vmul.f32 $5.000000000e-01, v56;
	[tilespmem:s25+$0xA0] =	vst v53;
	v55 =	vmul.f32 v25, v30  }
0x276: {  	v58 =	vsub.s32 $0x5F3759DF, v57;
	[tilespmem:s25+$0xB0] =	vst v54;
	v8 =	vmul.f32 v25, v8  }
0x277: {  	v60 =	vmul.f32 v58, v24;
	v9 =	vmul.f32 v25, v9;
	[tilespmem:s25+$0x0] =	vst v55  }
0x278: {  	v59 =	vmul.f32 v25, v13;
	[tilespmem:s25+$0x10] =	vst v8  }
0x279: {  	v61 =	vmul.f32 v58, v60;
	v4 =	vmul.f32 v25, v4;
	[tilespmem:s25+$0x20] =	vst v9  }
0x27a: {  	v5 =	vmul.f32 v25, v5;
	[tilespmem:s25+$0x30] =	vst v59  }
0x27b: {  	v62 =	vsub.f32 $1.500000000e+00, v61;
	[tilespmem:s25+$0x40] =	vst v4;
	v4 =	vmul.f32 v25, v6  }
0x27c: {  	[tilespmem:s25+$0x50] =	vst v5;
	v5 =	vmul.f32 v25, v7  }
0x27d: {  	v6 =	vmul.f32 v58, v62;
	[tilespmem:s25+$0x60] =	vst v4;
	v4 =	vmul.f32 v49, v10  }
0x27e: {  	[tilespmem:s25+$0x70] =	vst v5;
	v5 =	vmul.f32 v49, v11  }
0x27f: {  	v63 =	vmul.f32 v6, v21;
	[tilespmem:s25+$0xC0] =	vst v4  }
0x280: {  	v4 =	vmul.f32 v49, v12;
	[tilespmem:s25+$0xD0] =	vst v5  }
0x281: {  	v5 =	vmul.f32 v49, v16;
	[tilespmem:s25+$0x160] =	vst v63  }
0x282: {  	[tilespmem:s25+$0xE0] =	vst v4;
	v4 =	vmul.f32 v6, v17  }
0x283: {  	[tilespmem:s25+$0xF0] =	vst v5;
	v5 =	vmul.f32 v6, v14  }
0x284: {  	[tilespmem:s25+$0x100] =	vst v4;
	v4 =	vmul.f32 v6, v15  }
0x285: {  	[tilespmem:s25+$0x110] =	vst v5;
	v5 =	vmul.f32 v6, v18  }
0x286: {  	[tilespmem:s25+$0x120] =	vst v4;
	v4 =	vmul.f32 v6, v19  }
0x287: {  	[tilespmem:s25+$0x130] =	vst v5;
	v5 =	vmul.f32 v6, v20  }
0x288: {  	[tilespmem:s25+$0x140] =	vst v4;
	v4 =	vmul.f32 v6, v22  }
0x289: {  	[tilespmem:s25+$0x150] =	vst v5  }
0x28a: {  	[tilespmem:s25+$0x170] =	vst v4  }
0x28b: {  	[hbm4b:s9+s2] =	stream.linear.scatter [tilespmem:s18], [sflag:$0x5], $0x4000, $0x38;
	[tilespmem:$0x10200] =	vst v63  }
0x28c: {  	_ =	swait.ge [sflag:s23], $0x4000  }
0x28d: {  	[sflag:s23] =	ssyncset.done $0x0  }
0x28e: {  	[sflag:s23] =	ssyncadd.s32 $0xFFFFC000  }
0x28f: {  	_ =	swait.ge [sflag:s23], $0x4000  }
0x290: {  	[sflag:s23] =	ssyncset.done $0x0  }
0x291: {  	s24 =	sadd.s32 $0x1, s24;
	[sflag:s23] =	ssyncadd.s32 $0xFFFFC000  }
0x292: {  	p0 =	sne.s32 s24, s10;
	_ =	swait.ge [sflag:s23], $0x4000  }
.Ltmp4:
0x293: {  	[sflag:s23] =	ssyncset.done $0x0;
	(pc) =	sbr.rel @p0 .LBB2_1-.Ltmp4, $4  }
0x294: {  	[sflag:s23] =	ssyncadd.s32 $0xFFFFC000  }
0x295: {  	_ =	swait.ge [sflag:s23], $0x4000  }
0x296: {  	[sflag:s23] =	ssyncset.done $0x0  }
0x297: {  	[sflag:s23] =	ssyncadd.s32 $0xFFFFC000  }
0x298: {  	_ =	sfence.sel $0x180000  }
0x299: {  	[bflag:$0x0] =	sbarrier.arrive $0xFFFF  }
0x29a: {  	p0 =	sne.s32 s3, $0x0;
	_ =	strace $0x90000047  }
0x29b: {  	s0 =	sadd.s32 @!p0 $0x100000, s0;
	[bflag:$0x2] =	sbarrier.arrive $0xFFFF  }
0x29c: {  	[sflag:s0] =	ssyncadd.tile.s32 @!p0 $0x1;
	_ =	shalt  }
.Lfunc_end2:
_tile_overlayer_lowered:
.L_overlay_start_2:
0x29d: {  	(tag) =	ssettag $0x2  }
0x29e: {  	s0 =	rddreg [dreg:$0x0];
	s2 =	stileid.u32  }
0x29f: {  	s1 =	rddreg [dreg:$0x1];
	p0 =	sne.s32 s2, $0x0  }
0x2a0: {  	s3 =	rddreg [dreg:$0x2];
	[bflag:$0x3] =	sbarrier.arrive $0xFFFF;
	s2 =	simm.s32 @!p0 $0x1C06  }
0x2a1: {  	[timem:s3], [sflag:s2] =	dma.local @!p0 [hbm:s0], s1  }
0x2a2: {  	s0 =	simm.s32 @!p0 $0x6  }
0x2a3: {  	_ =	swait.ge @!p0 [sflag:s0], s1  }
0x2a4: {  	s1 =	ssub.s32 @!p0 $0x0, s1;
	[sflag:s0] =	ssyncset.done @!p0 $0x0  }
0x2a5: {  	[sflag:s0] =	ssyncadd.s32 @!p0 s1  }
0x2a6: {  	[bflag:$0x3] =	sbarrier.arrive $0xFFFF  }
0x2a7: {  	_ =	shalt  }

</sc_bundles>
